<compile_context>
chip_gen: v7x
topology: tpu7x:2x2x1
jax: 0.10.2.dev20260603
libtpu: 0.0.44.dev20260713+nightly
codegen_flags: <defaults>
</compile_context>

<pallas_src>
import functools

import jax
import jax.numpy as jnp
from jax import lax
from jax.experimental import pallas as pl
from jax.experimental.pallas import tpu as pltpu
from jax.experimental.pallas import tpu_sc as plsc

_S = 64
_K = 8
_RADIUS = 2.0
_R = 2.0 * _RADIUS / float(_S)
_R2 = _R * _R
_B = 2
_N = 8192
_F = 64
_P = _S * _S
_NB = 16
_TP = _P // _NB
_CAPL = 168
_LSTRIDE = 176
_CAP = 16 * _LSTRIDE
_GCH = 128
_MARGIN = 0.15625


def _sc_bin_body(xs_hbm, ys_hbm, zs_hbm,
                 bx_hbm, by_hbm, bz_hbm, bi_hbm,
                 xs_v, ys_v, zs_v, bx_v, by_v, bz_v, bi_v):
    b = lax.axis_index("c")
    t = lax.axis_index("s")
    pltpu.sync_copy(xs_hbm.at[b, 0], xs_v)
    pltpu.sync_copy(ys_hbm.at[b, 0], ys_v)
    pltpu.sync_copy(zs_hbm.at[b, 0], zs_v)
    tf = t.astype(jnp.float32)
    hi = (1.0 - (8.0 * tf + 1.0) * 0.015625) + _MARGIN
    lo = (1.0 - (8.0 * tf + 7.0) * 0.015625) - _MARGIN
    base = b * _N

    zeros16 = jnp.zeros((16,), jnp.float32)
    negone16 = jnp.full((16,), -1.0, jnp.float32)
    base16 = jnp.zeros((16,), jnp.int32) + base

    def prefill(j, carry):
        sl = pl.ds(j * 16, 16)
        bx_v[sl] = zeros16
        by_v[sl] = zeros16
        bz_v[sl] = negone16
        bi_v[sl] = base16
        return carry
    lax.fori_loop(0, _CAP // 16, prefill, jnp.int32(0))

    iota16 = lax.iota(jnp.int32, 16)

    lane_base = iota16 * _LSTRIDE

    def scan(i, cntv):
        sl = pl.ds(i * 16, 16)
        y = ys_v[sl]
        m = (y >= lo) & (y <= hi)
        pos = lane_base + jnp.where(m, jnp.minimum(cntv, _CAPL - 1), _CAPL)
        plsc.store_scatter(bx_v, [pos], xs_v[sl])
        plsc.store_scatter(by_v, [pos], y)
        plsc.store_scatter(bz_v, [pos], zs_v[sl])
        plsc.store_scatter(bi_v, [pos], base16 + (i * 16 + iota16))
        return cntv + m.astype(jnp.int32)

    lax.fori_loop(0, _N // 16, scan, jnp.zeros((16,), jnp.int32))

    lane_base = iota16 * _LSTRIDE



    pltpu.sync_copy(bx_v.at[pl.ds(0, _CAP)], bx_hbm.at[b, t, 0])
    pltpu.sync_copy(by_v.at[pl.ds(0, _CAP)], by_hbm.at[b, t, 0])
    pltpu.sync_copy(bz_v.at[pl.ds(0, _CAP)], bz_hbm.at[b, t, 0])
    pltpu.sync_copy(bi_v.at[pl.ds(0, _CAP)], bi_hbm.at[b, t, 0])


def _sc_bin(xs, ys, zs):
    mesh = plsc.VectorSubcoreMesh(core_axis_name="c", subcore_axis_name="s")
    out_type = (
        jax.ShapeDtypeStruct((_B, _NB, 1, _CAP), jnp.float32),
        jax.ShapeDtypeStruct((_B, _NB, 1, _CAP), jnp.float32),
        jax.ShapeDtypeStruct((_B, _NB, 1, _CAP), jnp.float32),
        jax.ShapeDtypeStruct((_B, _NB, 1, _CAP), jnp.int32),
    )
    scratch_types = [
        pltpu.VMEM((_N,), jnp.float32),
        pltpu.VMEM((_N,), jnp.float32),
        pltpu.VMEM((_N,), jnp.float32),
        pltpu.VMEM((_CAP,), jnp.float32),
        pltpu.VMEM((_CAP,), jnp.float32),
        pltpu.VMEM((_CAP,), jnp.float32),
        pltpu.VMEM((_CAP,), jnp.int32),
    ]
    fn = functools.partial(
        pl.kernel, mesh=mesh, out_type=out_type, scratch_types=scratch_types,
        compiler_params=pltpu.CompilerParams(needs_layout_passes=False),
    )(_sc_bin_body)
    return fn(xs, ys, zs)


def _raster_body(bx_ref, by_ref, bz_ref, bi_ref, feats_ref, fout_ref,
                 zw_ref, vray_ref, idx_ref, zbuf_ref, dist_ref, w_ref):
    b = pl.program_id(0)
    t = pl.program_id(1)

    pix_lin = lax.broadcasted_iota(jnp.int32, (_TP, 1), 0)
    row = t * 4 + pix_lin // _S
    col = pix_lin % _S
    pixx = 1.0 - (2.0 * col.astype(jnp.float32) + 1.0) / float(_S)
    pixy = 1.0 - (2.0 * row.astype(jnp.float32) + 1.0) / float(_S)

    ptx = bx_ref[0, 0]
    pty = by_ref[0, 0]
    ptz = bz_ref[0, 0]
    gidx = bi_ref[0, 0]

    a = pixx * pixx + pixy * pixy
    bb = ptx * ptx + pty * pty
    bf = lambda v: v.astype(jnp.bfloat16).astype(jnp.float32)
    c = bf(pixx) * bf(ptx) + bf(pixy) * bf(pty)
    d2 = (a + bb) - 2.0 * c

    valid = (d2 <= _R2) & (ptz > 0.0)
    zbig = jnp.where(valid, jnp.broadcast_to(ptz, d2.shape), jnp.inf)
    big = jnp.int32(1 << 30)

    sel_pairs = []
    idx_cols = []
    zbuf_cols = []
    dist_cols = []
    w_cols = []
    found0 = None
    for _ in range(_K):
        zmin = jnp.min(zbig, axis=1, keepdims=True)
        found = zmin < jnp.inf
        eq = zbig == zmin
        amin = jnp.min(jnp.where(eq, gidx, big), axis=1,
                       keepdims=True)
        onehot = eq & (gidx == amin)
        d2sel = jnp.max(jnp.where(onehot, d2, -1.0), axis=1,
                        keepdims=True)
        zbig = jnp.where(onehot, jnp.inf, zbig)
        wsel = jnp.clip(jnp.exp(-jnp.maximum(d2sel / _R2, 0.0)), 0.0, 0.99)
        sel_pairs.append((jnp.where(found, amin, -1), wsel))
        idx_cols.append(jnp.where(found, amin, -1))
        zbuf_cols.append(jnp.where(found, zmin, -1.0))
        dist_cols.append(jnp.where(found, d2sel, -1.0))
        w_cols.append(jnp.where(found, wsel, 0.99))
        if found0 is None:
            found0 = found

    zbuf_tk = jnp.concatenate(zbuf_cols, axis=1)
    dist_tk = jnp.concatenate(dist_cols, axis=1)
    idx_tk = jnp.concatenate(idx_cols, axis=1)
    w_tk = jnp.concatenate(w_cols, axis=1)

    iota_n = lax.broadcasted_iota(jnp.int32, (_TP, _N), 1) + b * _N
    wfull = jnp.zeros((_TP, _N), jnp.float32)
    for amin, wk in sel_pairs:
        wfull = jnp.where(iota_n == amin, wk, wfull)
    fout = lax.dot_general(feats_ref[0], wfull,
                           dimension_numbers=(((0,), (1,)), ((), ())),
                           preferred_element_type=jnp.float32)
    fout_ref[0] = fout

    wn = jnp.where(idx_tk >= 0, w_tk, 0.0)
    denom = jnp.maximum(jnp.sum(wn, axis=1, keepdims=True), 1e-9)
    wn = wn / denom
    zw = jnp.sum(zbuf_tk * wn, axis=1, keepdims=True)

    zw_ref[0] = zw.reshape(1, _TP)
    vray_ref[0] = found0.astype(jnp.float32).reshape(1, _TP)
    idx_ref[0] = idx_tk.T
    zbuf_ref[0] = zbuf_tk
    dist_ref[0] = dist_tk
    w_ref[0] = w_tk.T


@jax.jit
def kernel(points, features):
    xs = points[:, :, 0].reshape(_B, 1, _N)
    ys = points[:, :, 1].reshape(_B, 1, _N)
    zs = points[:, :, 2].reshape(_B, 1, _N)
    bx, by, bz, bi = _sc_bin(xs, ys, zs)

    grid = (_B, _NB)
    out_shapes = (
        jax.ShapeDtypeStruct((_B, _F, _P), jnp.float32),
        jax.ShapeDtypeStruct((_B, 1, _P), jnp.float32),
        jax.ShapeDtypeStruct((_B, 1, _P), jnp.float32),
        jax.ShapeDtypeStruct((_B, _K, _P), jnp.int32),
        jax.ShapeDtypeStruct((_B, _P, _K), jnp.float32),
        jax.ShapeDtypeStruct((_B, _P, _K), jnp.float32),
        jax.ShapeDtypeStruct((_B, _K, _P), jnp.float32),
    )
    in_specs = [
        pl.BlockSpec((1, 1, 1, _CAP), lambda b, t: (b, t, 0, 0)),
        pl.BlockSpec((1, 1, 1, _CAP), lambda b, t: (b, t, 0, 0)),
        pl.BlockSpec((1, 1, 1, _CAP), lambda b, t: (b, t, 0, 0)),
        pl.BlockSpec((1, 1, 1, _CAP), lambda b, t: (b, t, 0, 0)),
        pl.BlockSpec((1, _N, _F), lambda b, t: (b, 0, 0)),
    ]
    out_specs = (
        pl.BlockSpec((1, _F, _TP), lambda b, t: (b, 0, t)),
        pl.BlockSpec((1, 1, _TP), lambda b, t: (b, 0, t)),
        pl.BlockSpec((1, 1, _TP), lambda b, t: (b, 0, t)),
        pl.BlockSpec((1, _K, _TP), lambda b, t: (b, 0, t)),
        pl.BlockSpec((1, _TP, _K), lambda b, t: (b, t, 0)),
        pl.BlockSpec((1, _TP, _K), lambda b, t: (b, t, 0)),
        pl.BlockSpec((1, _K, _TP), lambda b, t: (b, 0, t)),
    )
    fout, zw, vray, idx, zbuf, dist, w = pl.pallas_call(
        _raster_body,
        grid=grid,
        in_specs=in_specs,
        out_specs=out_specs,
        out_shape=out_shapes,
    )(bx, by, bz, bi, features)

    feats_out = fout.reshape(_B, _F, _S, _S)
    z_weighted = zw.reshape(_B, 1, _S, _S)
    valid_ray = vray.reshape(_B, _S, _S)
    idx_o = idx.reshape(_B, _K, _S, _S)
    zbuf_o = zbuf.reshape(_B, _S, _S, _K)
    dist_o = dist.reshape(_B, _S, _S, _K)
    w_o = w.reshape(_B, _K, _S, _S)
    mean_ray = jnp.mean(valid_ray, axis=(1, 2))
    mean_pts = jnp.mean((idx_o >= 0).astype(jnp.float32), axis=(1, 2, 3))
    return (feats_out, z_weighted, valid_ray, mean_ray, mean_pts,
            idx_o, zbuf_o, dist_o, w_o)

# --- scband reference (transcript-rebuilt; emitter-appended) ---
"""Pipeline reference for scband-points-renderer-13486197309906 (READ-ONLY COPY).

The authoritative reference and input builder live on the scoring server;
editing this copy changes nothing except your own understanding.
"""

import jax, jax.numpy as jnp
import numpy as np

S = 64
K = 8
RADIUS = 2.0
R = 2.0 * RADIUS / float(S)


def setup_inputs(seed: int = 0) -> dict:
    key = jax.random.key(seed)
    k1, k2, k3 = jax.random.split(key, 3)
    B, N, F = 2, 8192, 64
    xy = jax.random.uniform(k1, (B, N, 2), minval=-1.0, maxval=1.0)
    z = jax.random.uniform(k2, (B, N, 1), minval=0.1, maxval=4.0)
    points = jnp.concatenate([xy, z], axis=-1).astype(jnp.float32)
    features = jax.random.normal(k3, (B, N, F), dtype=jnp.float32)
    return {"points": points, "features": features}


def _pixel_centers(s):
    # pytorch3d-style NDC pixel centers: 1 - (2i+1)/S along both axes
    c = 1.0 - (2.0 * jnp.arange(s, dtype=jnp.float32) + 1.0) / float(s)
    ys, xs = jnp.meshgrid(c, c, indexing='ij')
    return jnp.stack([xs.reshape(-1), ys.reshape(-1)], axis=-1)  # [S*S, 2]


def _rasterize_points(points, s, r, k):
    # Naive re-implementation of pytorch3d.rasterize_points:
    # per pixel, select the K nearest-in-z points whose squared xy NDC
    # distance to the pixel center is <= r^2. idx refers to PACKED points
    # (offset b*N per cloud); empty slots get idx=-1, zbuf=-1, dist=-1.
    B, N, _ = points.shape
    pix = _pixel_centers(s)  # [P, 2]
    idx_l, zbuf_l, dist_l = [], [], []
    for b in range(B):
        pxy = points[b, :, :2]
        pz = points[b, :, 2]
        d2 = (jnp.sum(pix * pix, axis=-1, keepdims=True)
              + jnp.sum(pxy * pxy, axis=-1)[None, :]
              - 2.0 * (pix @ pxy.T))  # [P, N]
        valid = (d2 <= r * r) & (pz[None, :] > 0.0)
        zkey = jnp.where(valid, pz[None, :], jnp.inf)
        negz, ids = jax.lax.top_k(-zkey, k)  # K smallest z among valid
        zsel = -negz
        ok = jnp.isfinite(zsel)
        d2sel = jnp.take_along_axis(d2, ids, axis=1)
        idx = jnp.where(ok, ids + b * N, -1)
        zbuf = jnp.where(ok, zsel, -1.0)
        dxy = jnp.where(ok, d2sel, -1.0)
        idx_l.append(idx.reshape(s, s, k))
        zbuf_l.append(zbuf.reshape(s, s, k))
        dist_l.append(dxy.reshape(s, s, k))
    return jnp.stack(idx_l), jnp.stack(zbuf_l), jnp.stack(dist_l)  # [B,S,S,K]


def reference(points, features):
    idx_r, zbuf, dist_xy = _rasterize_points(points, S, R, K)
    valid_pts = (idx_r >= 0).astype(jnp.float32)  # [B,S,S,K]
    valid_ray = valid_pts[:, :, :, 0]
    # exponential_alpha
    dists2 = jnp.transpose(dist_xy, (0, 3, 1, 2))  # [B,K,S,S]
    dists_norm = jnp.maximum(dists2 / (R * R), 0.0)
    weights = jnp.exp(-dists_norm)
    weights = jnp.clip(weights, 0.0, 0.99)
    idx = jnp.transpose(idx_r, (0, 3, 1, 2))  # [B,K,S,S]
    B, N, F = features.shape
    feats_packed = features.reshape(B * N, F).T  # [F, B*N]
    mask = idx >= 0
    safe_idx = jnp.where(mask, idx, 0)
    gathered = feats_packed[:, safe_idx]  # [F,B,K,S,S]
    w = jnp.where(mask, weights, 0.0)[None]  # [1,B,K,S,S]
    feats_out = jnp.transpose(jnp.sum(gathered * w, axis=2), (1, 0, 2, 3))  # [B,F,S,S]
    w_normed = weights * mask.astype(jnp.float32)
    w_normed = w_normed / jnp.maximum(jnp.sum(w_normed, axis=1, keepdims=True), 1e-9)
    z_weighted = jnp.sum(jnp.transpose(zbuf, (0, 3, 1, 2)) * w_normed, axis=1, keepdims=True)
    return (feats_out, z_weighted, valid_ray,
            jnp.mean(valid_ray, axis=(1, 2)), jnp.mean(valid_pts, axis=(1, 2, 3)),
            idx, zbuf, dist_xy, weights)

if __name__ == "__main__":
    import jax
    _d = setup_inputs()
    print(jax.jit(kernel)(*tuple(_d.values())))

</pallas_src>

<mosaic_0001>
#map = affine_map<(d0, d1) -> (0, 0, 0)>
#map1 = affine_map<(d0, d1) -> (0, 0, 0, 0)>
module attributes {stable_mosaic.version = 14 : i64} {
  func.func @_sc_bin_body(%arg0: i32, %arg1: i32, %arg2: memref<2x1x8192xf32, #tpu.memory_space<hbm>>, %arg3: memref<2x1x8192xf32, #tpu.memory_space<hbm>>, %arg4: memref<2x1x8192xf32, #tpu.memory_space<hbm>>, %arg5: memref<2x16x1x2816xf32, #tpu.memory_space<hbm>>, %arg6: memref<2x16x1x2816xf32, #tpu.memory_space<hbm>>, %arg7: memref<2x16x1x2816xf32, #tpu.memory_space<hbm>>, %arg8: memref<2x16x1x2816xi32, #tpu.memory_space<hbm>>, %arg9: memref<8192xf32, #tpu.memory_space<vmem>>, %arg10: memref<8192xf32, #tpu.memory_space<vmem>>, %arg11: memref<8192xf32, #tpu.memory_space<vmem>>, %arg12: memref<2816xf32, #tpu.memory_space<vmem>>, %arg13: memref<2816xf32, #tpu.memory_space<vmem>>, %arg14: memref<2816xf32, #tpu.memory_space<vmem>>, %arg15: memref<2816xi32, #tpu.memory_space<vmem>>) attributes {dimension_semantics = [#tpu.dimension_semantics<core_parallel>, #tpu.dimension_semantics<subcore_parallel>], iteration_bounds = array<i64: 2, 16>, scalar_prefetch = 0 : i64, scratch_operands = 7 : i64, tpu.core_type = #tpu.core_type<sc_vector_subcore>, window_params = [{transform_indices = #map}, {transform_indices = #map}, {transform_indices = #map}, {transform_indices = #map1}, {transform_indices = #map1}, {transform_indices = #map1}, {transform_indices = #map1}]} {
    %run_scoped3A = arith.constant 0 : i32
    "tpu.region"() ({
      %run_scoped3A_51 = tpu.sem_alloc : memref<!tpu.dma_semaphore, #tpu.memory_space<semaphore_mem>>
      %dma_start3A = arith.constant 0 : i32
      %dma_start3A_52 = tpu.memref_slice %arg2[%arg0, %run_scoped3A, %dma_start3A] : memref<2x1x8192xf32, #tpu.memory_space<hbm>> -> memref<1x1x8192xf32, #tpu.memory_space<hbm>>
      %dma_start3A_53 = tpu.memref_squeeze %dma_start3A_52 : memref<1x1x8192xf32, #tpu.memory_space<hbm>> -> memref<8192xf32, #tpu.memory_space<hbm>>
      %dma_start3A_54 = arith.constant 0 : i32
      %dma_start3A_55 = tpu.memref_slice %arg2[%arg0, %run_scoped3A, %dma_start3A_54] : memref<2x1x8192xf32, #tpu.memory_space<hbm>> -> memref<1x1x8192xf32, #tpu.memory_space<hbm>>
      %dma_start3A_56 = tpu.memref_squeeze %dma_start3A_55 : memref<1x1x8192xf32, #tpu.memory_space<hbm>> -> memref<8192xf32, #tpu.memory_space<hbm>>
      tpu.enqueue_dma source(%dma_start3A_56 : memref<8192xf32, #tpu.memory_space<hbm>>) target(%arg9 : memref<8192xf32, #tpu.memory_space<vmem>>) target_semaphore(%run_scoped3A_51 : memref<!tpu.dma_semaphore, #tpu.memory_space<semaphore_mem>>)
      %dma_wait3A = arith.constant 0 : i32
      %dma_wait3A_57 = tpu.memref_slice %arg2[%arg0, %run_scoped3A, %dma_wait3A] : memref<2x1x8192xf32, #tpu.memory_space<hbm>> -> memref<1x1x8192xf32, #tpu.memory_space<hbm>>
      %dma_wait3A_58 = tpu.memref_squeeze %dma_wait3A_57 : memref<1x1x8192xf32, #tpu.memory_space<hbm>> -> memref<8192xf32, #tpu.memory_space<hbm>>
      %dma_wait3A_59 = arith.constant 0 : i32
      %dma_wait3A_60 = tpu.memref_slice %arg2[%arg0, %run_scoped3A, %dma_wait3A_59] : memref<2x1x8192xf32, #tpu.memory_space<hbm>> -> memref<1x1x8192xf32, #tpu.memory_space<hbm>>
      %dma_wait3A_61 = tpu.memref_squeeze %dma_wait3A_60 : memref<1x1x8192xf32, #tpu.memory_space<hbm>> -> memref<8192xf32, #tpu.memory_space<hbm>>
      tpu.wait_dma2 semaphore(%run_scoped3A_51 : memref<!tpu.dma_semaphore, #tpu.memory_space<semaphore_mem>>) src(%dma_wait3A_61 : memref<8192xf32, #tpu.memory_space<hbm>>) dst(%arg9 : memref<8192xf32, #tpu.memory_space<vmem>>)
      tpu.yield
    }) : () -> ()
    %run_scoped3A_0 = arith.constant 0 : i32
    "tpu.region"() ({
      %run_scoped3A_51 = tpu.sem_alloc : memref<!tpu.dma_semaphore, #tpu.memory_space<semaphore_mem>>
      %dma_start3A = arith.constant 0 : i32
      %dma_start3A_52 = tpu.memref_slice %arg3[%arg0, %run_scoped3A_0, %dma_start3A] : memref<2x1x8192xf32, #tpu.memory_space<hbm>> -> memref<1x1x8192xf32, #tpu.memory_space<hbm>>
      %dma_start3A_53 = tpu.memref_squeeze %dma_start3A_52 : memref<1x1x8192xf32, #tpu.memory_space<hbm>> -> memref<8192xf32, #tpu.memory_space<hbm>>
      %dma_start3A_54 = arith.constant 0 : i32
      %dma_start3A_55 = tpu.memref_slice %arg3[%arg0, %run_scoped3A_0, %dma_start3A_54] : memref<2x1x8192xf32, #tpu.memory_space<hbm>> -> memref<1x1x8192xf32, #tpu.memory_space<hbm>>
      %dma_start3A_56 = tpu.memref_squeeze %dma_start3A_55 : memref<1x1x8192xf32, #tpu.memory_space<hbm>> -> memref<8192xf32, #tpu.memory_space<hbm>>
      tpu.enqueue_dma source(%dma_start3A_56 : memref<8192xf32, #tpu.memory_space<hbm>>) target(%arg10 : memref<8192xf32, #tpu.memory_space<vmem>>) target_semaphore(%run_scoped3A_51 : memref<!tpu.dma_semaphore, #tpu.memory_space<semaphore_mem>>)
      %dma_wait3A = arith.constant 0 : i32
      %dma_wait3A_57 = tpu.memref_slice %arg3[%arg0, %run_scoped3A_0, %dma_wait3A] : memref<2x1x8192xf32, #tpu.memory_space<hbm>> -> memref<1x1x8192xf32, #tpu.memory_space<hbm>>
      %dma_wait3A_58 = tpu.memref_squeeze %dma_wait3A_57 : memref<1x1x8192xf32, #tpu.memory_space<hbm>> -> memref<8192xf32, #tpu.memory_space<hbm>>
      %dma_wait3A_59 = arith.constant 0 : i32
      %dma_wait3A_60 = tpu.memref_slice %arg3[%arg0, %run_scoped3A_0, %dma_wait3A_59] : memref<2x1x8192xf32, #tpu.memory_space<hbm>> -> memref<1x1x8192xf32, #tpu.memory_space<hbm>>
      %dma_wait3A_61 = tpu.memref_squeeze %dma_wait3A_60 : memref<1x1x8192xf32, #tpu.memory_space<hbm>> -> memref<8192xf32, #tpu.memory_space<hbm>>
      tpu.wait_dma2 semaphore(%run_scoped3A_51 : memref<!tpu.dma_semaphore, #tpu.memory_space<semaphore_mem>>) src(%dma_wait3A_61 : memref<8192xf32, #tpu.memory_space<hbm>>) dst(%arg10 : memref<8192xf32, #tpu.memory_space<vmem>>)
      tpu.yield
    }) : () -> ()
    %run_scoped3A_1 = arith.constant 0 : i32
    "tpu.region"() ({
      %run_scoped3A_51 = tpu.sem_alloc : memref<!tpu.dma_semaphore, #tpu.memory_space<semaphore_mem>>
      %dma_start3A = arith.constant 0 : i32
      %dma_start3A_52 = tpu.memref_slice %arg4[%arg0, %run_scoped3A_1, %dma_start3A] : memref<2x1x8192xf32, #tpu.memory_space<hbm>> -> memref<1x1x8192xf32, #tpu.memory_space<hbm>>
      %dma_start3A_53 = tpu.memref_squeeze %dma_start3A_52 : memref<1x1x8192xf32, #tpu.memory_space<hbm>> -> memref<8192xf32, #tpu.memory_space<hbm>>
      %dma_start3A_54 = arith.constant 0 : i32
      %dma_start3A_55 = tpu.memref_slice %arg4[%arg0, %run_scoped3A_1, %dma_start3A_54] : memref<2x1x8192xf32, #tpu.memory_space<hbm>> -> memref<1x1x8192xf32, #tpu.memory_space<hbm>>
      %dma_start3A_56 = tpu.memref_squeeze %dma_start3A_55 : memref<1x1x8192xf32, #tpu.memory_space<hbm>> -> memref<8192xf32, #tpu.memory_space<hbm>>
      tpu.enqueue_dma source(%dma_start3A_56 : memref<8192xf32, #tpu.memory_space<hbm>>) target(%arg11 : memref<8192xf32, #tpu.memory_space<vmem>>) target_semaphore(%run_scoped3A_51 : memref<!tpu.dma_semaphore, #tpu.memory_space<semaphore_mem>>)
      %dma_wait3A = arith.constant 0 : i32
      %dma_wait3A_57 = tpu.memref_slice %arg4[%arg0, %run_scoped3A_1, %dma_wait3A] : memref<2x1x8192xf32, #tpu.memory_space<hbm>> -> memref<1x1x8192xf32, #tpu.memory_space<hbm>>
      %dma_wait3A_58 = tpu.memref_squeeze %dma_wait3A_57 : memref<1x1x8192xf32, #tpu.memory_space<hbm>> -> memref<8192xf32, #tpu.memory_space<hbm>>
      %dma_wait3A_59 = arith.constant 0 : i32
      %dma_wait3A_60 = tpu.memref_slice %arg4[%arg0, %run_scoped3A_1, %dma_wait3A_59] : memref<2x1x8192xf32, #tpu.memory_space<hbm>> -> memref<1x1x8192xf32, #tpu.memory_space<hbm>>
      %dma_wait3A_61 = tpu.memref_squeeze %dma_wait3A_60 : memref<1x1x8192xf32, #tpu.memory_space<hbm>> -> memref<8192xf32, #tpu.memory_space<hbm>>
      tpu.wait_dma2 semaphore(%run_scoped3A_51 : memref<!tpu.dma_semaphore, #tpu.memory_space<semaphore_mem>>) src(%dma_wait3A_61 : memref<8192xf32, #tpu.memory_space<hbm>>) dst(%arg11 : memref<8192xf32, #tpu.memory_space<vmem>>)
      tpu.yield
    }) : () -> ()
    %convert_element_type3A = arith.sitofp %arg1 : i32 to f32
    %mul3A = arith.constant 8.000000e+00 : f32
    %mul3A_2 = arith.mulf %mul3A, %convert_element_type3A : f32
    %add3A = arith.constant 1.000000e+00 : f32
    %add3A_3 = arith.addf %mul3A_2, %add3A : f32
    %mul3A_4 = arith.constant 1.562500e-02 : f32
    %mul3A_5 = arith.mulf %add3A_3, %mul3A_4 : f32
    %sub3A = arith.constant 1.000000e+00 : f32
    %sub3A_6 = arith.subf %sub3A, %mul3A_5 : f32
    %add3A_7 = arith.constant 1.562500e-01 : f32
    %add3A_8 = arith.addf %sub3A_6, %add3A_7 : f32
    %mul3A_9 = arith.constant 8.000000e+00 : f32
    %mul3A_10 = arith.mulf %mul3A_9, %convert_element_type3A : f32
    %add3A_11 = arith.constant 7.000000e+00 : f32
    %add3A_12 = arith.addf %mul3A_10, %add3A_11 : f32
    %mul3A_13 = arith.constant 1.562500e-02 : f32
    %mul3A_14 = arith.mulf %add3A_12, %mul3A_13 : f32
    %sub3A_15 = arith.constant 1.000000e+00 : f32
    %sub3A_16 = arith.subf %sub3A_15, %mul3A_14 : f32
    %sub3A_17 = arith.constant 1.562500e-01 : f32
    %sub3A_18 = arith.subf %sub3A_16, %sub3A_17 : f32
    %mul3A_19 = arith.constant 8192 : i32
    %mul3A_20 = arith.muli %arg0, %mul3A_19 : i32
    %broadcast_in_dim3A = arith.constant 0.000000e+00 : f32
    %broadcast_in_dim3A_21 = vector.broadcast %broadcast_in_dim3A : f32 to vector<16xf32>
    %broadcast_in_dim3A_22 = arith.constant -1.000000e+00 : f32
    %broadcast_in_dim3A_23 = vector.broadcast %broadcast_in_dim3A_22 : f32 to vector<16xf32>
    %broadcast_in_dim3A_24 = arith.constant 0 : i32
    %broadcast_in_dim3A_25 = vector.broadcast %broadcast_in_dim3A_24 : i32 to vector<16xi32>
    %add3A_26 = vector.broadcast %mul3A_20 : i32 to vector<16xi32>
    %add3A_27 = arith.addi %broadcast_in_dim3A_25, %add3A_26 : vector<16xi32>
    %scan3A = arith.constant 0 : i32
    %scan3A_28 = arith.constant 0 : i32
    %scan3A_29 = arith.constant 176 : i32
    %scan3A_30 = arith.addi %scan3A_28, %scan3A_29 : i32
    %scan3A_31 = arith.constant 1 : i32
    scf.for %scan3A_51 = %scan3A_28 to %scan3A_30 step %scan3A_31  : i32 {
      %mul3A_52 = arith.constant 16 : i32
      %mul3A_53 = arith.muli %scan3A_51, %mul3A_52 : i32
      %swap3A = arith.index_cast %mul3A_53 : i32 to index
      %swap3A_54 = tpu.vector_load %arg12[%swap3A] {strides = array<i32>} : memref<2816xf32, #tpu.memory_space<vmem>>, vector<16xf32>,
      tpu.vector_store %arg12[%swap3A], %broadcast_in_dim3A_21 {strides = array<i32>} : memref<2816xf32, #tpu.memory_space<vmem>>, vector<16xf32>,
      %swap3A_55 = arith.index_cast %mul3A_53 : i32 to index
      %swap3A_56 = tpu.vector_load %arg13[%swap3A_55] {strides = array<i32>} : memref<2816xf32, #tpu.memory_space<vmem>>, vector<16xf32>,
      tpu.vector_store %arg13[%swap3A_55], %broadcast_in_dim3A_21 {strides = array<i32>} : memref<2816xf32, #tpu.memory_space<vmem>>, vector<16xf32>,
      %swap3A_57 = arith.index_cast %mul3A_53 : i32 to index
      %swap3A_58 = tpu.vector_load %arg14[%swap3A_57] {strides = array<i32>} : memref<2816xf32, #tpu.memory_space<vmem>>, vector<16xf32>,
      tpu.vector_store %arg14[%swap3A_57], %broadcast_in_dim3A_23 {strides = array<i32>} : memref<2816xf32, #tpu.memory_space<vmem>>, vector<16xf32>,
      %swap3A_59 = arith.index_cast %mul3A_53 : i32 to index
      %swap3A_60 = tpu.vector_load %arg15[%swap3A_59] {strides = array<i32>} : memref<2816xi32, #tpu.memory_space<vmem>>, vector<16xi32>,
      tpu.vector_store %arg15[%swap3A_59], %add3A_27 {strides = array<i32>} : memref<2816xi32, #tpu.memory_space<vmem>>, vector<16xi32>,
    }
    %scan3A_32 = arith.constant 176 : i32
    %iota3A = tpu.iota {dimensions = array<i32: 0>} : vector<16xi32>
    %mul3A_33 = arith.constant 176 : i32
    %mul3A_34 = vector.broadcast %mul3A_33 : i32 to vector<16xi32>
    %mul3A_35 = arith.muli %iota3A, %mul3A_34 : vector<16xi32>
    %broadcast_in_dim3A_36 = arith.constant 0 : i32
    %broadcast_in_dim3A_37 = vector.broadcast %broadcast_in_dim3A_36 : i32 to vector<16xi32>
    %scan3A_38 = arith.constant 0 : i32
    %scan3A_39 = arith.constant 512 : i32
    %scan3A_40 = arith.addi %scan3A_38, %scan3A_39 : i32
    %scan3A_41 = arith.constant 1 : i32
    %scan3A_42 = scf.for %scan3A_51 = %scan3A_38 to %scan3A_40 step %scan3A_41 iter_args(%scan3A_52 = %broadcast_in_dim3A_37) -> (vector<16xi32>)  : i32 {
      %mul3A_53 = arith.constant 16 : i32
      %mul3A_54 = arith.muli %scan3A_51, %mul3A_53 : i32
      %get3A = arith.index_cast %mul3A_54 : i32 to index
      %get3A_55 = tpu.vector_load %arg10[%get3A] {strides = array<i32>} : memref<8192xf32, #tpu.memory_space<vmem>>, vector<16xf32>,
      %ge3A = vector.broadcast %sub3A_18 : f32 to vector<16xf32>
      %ge3A_56 = arith.cmpf oge, %get3A_55, %ge3A : vector<16xf32>
      %le3A = vector.broadcast %add3A_8 : f32 to vector<16xf32>
      %le3A_57 = arith.cmpf ole, %get3A_55, %le3A : vector<16xf32>
      %and3A = arith.andi %ge3A_56, %le3A_57 : vector<16xi1>
      %min3A = arith.constant 167 : i32
      %min3A_58 = vector.broadcast %min3A : i32 to vector<16xi32>
      %min3A_59 = arith.minsi %scan3A_52, %min3A_58 : vector<16xi32>
      %jit3A = arith.constant 168 : i32
      %broadcast_in_dim3A_60 = vector.broadcast %jit3A : i32 to vector<16xi32>
      %select_n3A = arith.select %and3A, %min3A_59, %broadcast_in_dim3A_60 : vector<16xi1>, vector<16xi32>
      %add3A_61 = arith.addi %mul3A_35, %select_n3A : vector<16xi32>
      %get3A_62 = arith.index_cast %mul3A_54 : i32 to index
      %get3A_63 = tpu.vector_load %arg9[%get3A_62] {strides = array<i32>} : memref<8192xf32, #tpu.memory_space<vmem>>, vector<16xf32>,
      tpu.vector_store_idx %arg12[%add3A_61], %get3A_63 : memref<2816xf32, #tpu.memory_space<vmem>>[vector<16xi32>], vector<16xf32>,
      tpu.vector_store_idx %arg13[%add3A_61], %get3A_55 : memref<2816xf32, #tpu.memory_space<vmem>>[vector<16xi32>], vector<16xf32>,
      %get3A_64 = arith.index_cast %mul3A_54 : i32 to index
      %get3A_65 = tpu.vector_load %arg11[%get3A_64] {strides = array<i32>} : memref<8192xf32, #tpu.memory_space<vmem>>, vector<16xf32>,
      tpu.vector_store_idx %arg14[%add3A_61], %get3A_65 : memref<2816xf32, #tpu.memory_space<vmem>>[vector<16xi32>], vector<16xf32>,
      %mul3A_66 = arith.constant 16 : i32
      %mul3A_67 = arith.muli %scan3A_51, %mul3A_66 : i32
      %add3A_68 = vector.broadcast %mul3A_67 : i32 to vector<16xi32>
      %add3A_69 = arith.addi %add3A_68, %iota3A : vector<16xi32>
      %add3A_70 = arith.addi %add3A_27, %add3A_69 : vector<16xi32>
      tpu.vector_store_idx %arg15[%add3A_61], %add3A_70 : memref<2816xi32, #tpu.memory_space<vmem>>[vector<16xi32>], vector<16xi32>,
      %convert_element_type3A_71 = arith.extui %and3A : vector<16xi1> to vector<16xi32>
      %add3A_72 = arith.addi %scan3A_52, %convert_element_type3A_71 : vector<16xi32>
      scf.yield %add3A_72 : vector<16xi32>
    }
    %scan3A_43 = arith.constant 512 : i32
    %mul3A_44 = arith.constant 176 : i32
    %mul3A_45 = vector.broadcast %mul3A_44 : i32 to vector<16xi32>
    %mul3A_46 = arith.muli %iota3A, %mul3A_45 : vector<16xi32>
    %run_scoped3A_47 = arith.constant 0 : i32
    "tpu.region"() ({
      %run_scoped3A_51 = tpu.sem_alloc : memref<!tpu.dma_semaphore, #tpu.memory_space<semaphore_mem>>
      %dma_start3A = arith.constant 0 : i32
      %dma_start3A_52 = tpu.memref_slice %arg12[%dma_start3A] : memref<2816xf32, #tpu.memory_space<vmem>> -> memref<2816xf32, #tpu.memory_space<vmem>>
      %dma_start3A_53 = arith.constant 0 : i32
      %dma_start3A_54 = tpu.memref_slice %arg5[%arg0, %arg1, %run_scoped3A_47, %dma_start3A_53] : memref<2x16x1x2816xf32, #tpu.memory_space<hbm>> -> memref<1x1x1x2816xf32, #tpu.memory_space<hbm>>
      %dma_start3A_55 = tpu.memref_squeeze %dma_start3A_54 : memref<1x1x1x2816xf32, #tpu.memory_space<hbm>> -> memref<2816xf32, #tpu.memory_space<hbm>>
      %dma_start3A_56 = arith.constant 0 : i32
      %dma_start3A_57 = tpu.memref_slice %arg5[%arg0, %arg1, %run_scoped3A_47, %dma_start3A_56] : memref<2x16x1x2816xf32, #tpu.memory_space<hbm>> -> memref<1x1x1x2816xf32, #tpu.memory_space<hbm>>
      %dma_start3A_58 = tpu.memref_squeeze %dma_start3A_57 : memref<1x1x1x2816xf32, #tpu.memory_space<hbm>> -> memref<2816xf32, #tpu.memory_space<hbm>>
      %dma_start3A_59 = arith.constant 0 : i32
      %dma_start3A_60 = tpu.memref_slice %arg12[%dma_start3A_59] : memref<2816xf32, #tpu.memory_space<vmem>> -> memref<2816xf32, #tpu.memory_space<vmem>>
      tpu.enqueue_dma source(%dma_start3A_60 : memref<2816xf32, #tpu.memory_space<vmem>>) target(%dma_start3A_58 : memref<2816xf32, #tpu.memory_space<hbm>>) target_semaphore(%run_scoped3A_51 : memref<!tpu.dma_semaphore, #tpu.memory_space<semaphore_mem>>)
      %dma_wait3A = arith.constant 0 : i32
      %dma_wait3A_61 = tpu.memref_slice %arg12[%dma_wait3A] : memref<2816xf32, #tpu.memory_space<vmem>> -> memref<2816xf32, #tpu.memory_space<vmem>>
      %dma_wait3A_62 = arith.constant 0 : i32
      %dma_wait3A_63 = tpu.memref_slice %arg5[%arg0, %arg1, %run_scoped3A_47, %dma_wait3A_62] : memref<2x16x1x2816xf32, #tpu.memory_space<hbm>> -> memref<1x1x1x2816xf32, #tpu.memory_space<hbm>>
      %dma_wait3A_64 = tpu.memref_squeeze %dma_wait3A_63 : memref<1x1x1x2816xf32, #tpu.memory_space<hbm>> -> memref<2816xf32, #tpu.memory_space<hbm>>
      %dma_wait3A_65 = arith.constant 0 : i32
      %dma_wait3A_66 = tpu.memref_slice %arg5[%arg0, %arg1, %run_scoped3A_47, %dma_wait3A_65] : memref<2x16x1x2816xf32, #tpu.memory_space<hbm>> -> memref<1x1x1x2816xf32, #tpu.memory_space<hbm>>
      %dma_wait3A_67 = tpu.memref_squeeze %dma_wait3A_66 : memref<1x1x1x2816xf32, #tpu.memory_space<hbm>> -> memref<2816xf32, #tpu.memory_space<hbm>>
      %dma_wait3A_68 = arith.constant 0 : i32
      %dma_wait3A_69 = tpu.memref_slice %arg12[%dma_wait3A_68] : memref<2816xf32, #tpu.memory_space<vmem>> -> memref<2816xf32, #tpu.memory_space<vmem>>
      tpu.wait_dma2 semaphore(%run_scoped3A_51 : memref<!tpu.dma_semaphore, #tpu.memory_space<semaphore_mem>>) src(%dma_wait3A_69 : memref<2816xf32, #tpu.memory_space<vmem>>) dst(%dma_wait3A_67 : memref<2816xf32, #tpu.memory_space<hbm>>)
      tpu.yield
    }) : () -> ()
    %run_scoped3A_48 = arith.constant 0 : i32
    "tpu.region"() ({
      %run_scoped3A_51 = tpu.sem_alloc : memref<!tpu.dma_semaphore, #tpu.memory_space<semaphore_mem>>
      %dma_start3A = arith.constant 0 : i32
      %dma_start3A_52 = tpu.memref_slice %arg13[%dma_start3A] : memref<2816xf32, #tpu.memory_space<vmem>> -> memref<2816xf32, #tpu.memory_space<vmem>>
      %dma_start3A_53 = arith.constant 0 : i32
      %dma_start3A_54 = tpu.memref_slice %arg6[%arg0, %arg1, %run_scoped3A_48, %dma_start3A_53] : memref<2x16x1x2816xf32, #tpu.memory_space<hbm>> -> memref<1x1x1x2816xf32, #tpu.memory_space<hbm>>
      %dma_start3A_55 = tpu.memref_squeeze %dma_start3A_54 : memref<1x1x1x2816xf32, #tpu.memory_space<hbm>> -> memref<2816xf32, #tpu.memory_space<hbm>>
      %dma_start3A_56 = arith.constant 0 : i32
      %dma_start3A_57 = tpu.memref_slice %arg6[%arg0, %arg1, %run_scoped3A_48, %dma_start3A_56] : memref<2x16x1x2816xf32, #tpu.memory_space<hbm>> -> memref<1x1x1x2816xf32, #tpu.memory_space<hbm>>
      %dma_start3A_58 = tpu.memref_squeeze %dma_start3A_57 : memref<1x1x1x2816xf32, #tpu.memory_space<hbm>> -> memref<2816xf32, #tpu.memory_space<hbm>>
      %dma_start3A_59 = arith.constant 0 : i32
      %dma_start3A_60 = tpu.memref_slice %arg13[%dma_start3A_59] : memref<2816xf32, #tpu.memory_space<vmem>> -> memref<2816xf32, #tpu.memory_space<vmem>>
      tpu.enqueue_dma source(%dma_start3A_60 : memref<2816xf32, #tpu.memory_space<vmem>>) target(%dma_start3A_58 : memref<2816xf32, #tpu.memory_space<hbm>>) target_semaphore(%run_scoped3A_51 : memref<!tpu.dma_semaphore, #tpu.memory_space<semaphore_mem>>)
      %dma_wait3A = arith.constant 0 : i32
      %dma_wait3A_61 = tpu.memref_slice %arg13[%dma_wait3A] : memref<2816xf32, #tpu.memory_space<vmem>> -> memref<2816xf32, #tpu.memory_space<vmem>>
      %dma_wait3A_62 = arith.constant 0 : i32
      %dma_wait3A_63 = tpu.memref_slice %arg6[%arg0, %arg1, %run_scoped3A_48, %dma_wait3A_62] : memref<2x16x1x2816xf32, #tpu.memory_space<hbm>> -> memref<1x1x1x2816xf32, #tpu.memory_space<hbm>>
      %dma_wait3A_64 = tpu.memref_squeeze %dma_wait3A_63 : memref<1x1x1x2816xf32, #tpu.memory_space<hbm>> -> memref<2816xf32, #tpu.memory_space<hbm>>
      %dma_wait3A_65 = arith.constant 0 : i32
      %dma_wait3A_66 = tpu.memref_slice %arg6[%arg0, %arg1, %run_scoped3A_48, %dma_wait3A_65] : memref<2x16x1x2816xf32, #tpu.memory_space<hbm>> -> memref<1x1x1x2816xf32, #tpu.memory_space<hbm>>
      %dma_wait3A_67 = tpu.memref_squeeze %dma_wait3A_66 : memref<1x1x1x2816xf32, #tpu.memory_space<hbm>> -> memref<2816xf32, #tpu.memory_space<hbm>>
      %dma_wait3A_68 = arith.constant 0 : i32
      %dma_wait3A_69 = tpu.memref_slice %arg13[%dma_wait3A_68] : memref<2816xf32, #tpu.memory_space<vmem>> -> memref<2816xf32, #tpu.memory_space<vmem>>
      tpu.wait_dma2 semaphore(%run_scoped3A_51 : memref<!tpu.dma_semaphore, #tpu.memory_space<semaphore_mem>>) src(%dma_wait3A_69 : memref<2816xf32, #tpu.memory_space<vmem>>) dst(%dma_wait3A_67 : memref<2816xf32, #tpu.memory_space<hbm>>)
      tpu.yield
    }) : () -> ()
    %run_scoped3A_49 = arith.constant 0 : i32
    "tpu.region"() ({
      %run_scoped3A_51 = tpu.sem_alloc : memref<!tpu.dma_semaphore, #tpu.memory_space<semaphore_mem>>
      %dma_start3A = arith.constant 0 : i32
      %dma_start3A_52 = tpu.memref_slice %arg14[%dma_start3A] : memref<2816xf32, #tpu.memory_space<vmem>> -> memref<2816xf32, #tpu.memory_space<vmem>>
      %dma_start3A_53 = arith.constant 0 : i32
      %dma_start3A_54 = tpu.memref_slice %arg7[%arg0, %arg1, %run_scoped3A_49, %dma_start3A_53] : memref<2x16x1x2816xf32, #tpu.memory_space<hbm>> -> memref<1x1x1x2816xf32, #tpu.memory_space<hbm>>
      %dma_start3A_55 = tpu.memref_squeeze %dma_start3A_54 : memref<1x1x1x2816xf32, #tpu.memory_space<hbm>> -> memref<2816xf32, #tpu.memory_space<hbm>>
      %dma_start3A_56 = arith.constant 0 : i32
      %dma_start3A_57 = tpu.memref_slice %arg7[%arg0, %arg1, %run_scoped3A_49, %dma_start3A_56] : memref<2x16x1x2816xf32, #tpu.memory_space<hbm>> -> memref<1x1x1x2816xf32, #tpu.memory_space<hbm>>
      %dma_start3A_58 = tpu.memref_squeeze %dma_start3A_57 : memref<1x1x1x2816xf32, #tpu.memory_space<hbm>> -> memref<2816xf32, #tpu.memory_space<hbm>>
      %dma_start3A_59 = arith.constant 0 : i32
      %dma_start3A_60 = tpu.memref_slice %arg14[%dma_start3A_59] : memref<2816xf32, #tpu.memory_space<vmem>> -> memref<2816xf32, #tpu.memory_space<vmem>>
      tpu.enqueue_dma source(%dma_start3A_60 : memref<2816xf32, #tpu.memory_space<vmem>>) target(%dma_start3A_58 : memref<2816xf32, #tpu.memory_space<hbm>>) target_semaphore(%run_scoped3A_51 : memref<!tpu.dma_semaphore, #tpu.memory_space<semaphore_mem>>)
      %dma_wait3A = arith.constant 0 : i32
      %dma_wait3A_61 = tpu.memref_slice %arg14[%dma_wait3A] : memref<2816xf32, #tpu.memory_space<vmem>> -> memref<2816xf32, #tpu.memory_space<vmem>>
      %dma_wait3A_62 = arith.constant 0 : i32
      %dma_wait3A_63 = tpu.memref_slice %arg7[%arg0, %arg1, %run_scoped3A_49, %dma_wait3A_62] : memref<2x16x1x2816xf32, #tpu.memory_space<hbm>> -> memref<1x1x1x2816xf32, #tpu.memory_space<hbm>>
      %dma_wait3A_64 = tpu.memref_squeeze %dma_wait3A_63 : memref<1x1x1x2816xf32, #tpu.memory_space<hbm>> -> memref<2816xf32, #tpu.memory_space<hbm>>
      %dma_wait3A_65 = arith.constant 0 : i32
      %dma_wait3A_66 = tpu.memref_slice %arg7[%arg0, %arg1, %run_scoped3A_49, %dma_wait3A_65] : memref<2x16x1x2816xf32, #tpu.memory_space<hbm>> -> memref<1x1x1x2816xf32, #tpu.memory_space<hbm>>
      %dma_wait3A_67 = tpu.memref_squeeze %dma_wait3A_66 : memref<1x1x1x2816xf32, #tpu.memory_space<hbm>> -> memref<2816xf32, #tpu.memory_space<hbm>>
      %dma_wait3A_68 = arith.constant 0 : i32
      %dma_wait3A_69 = tpu.memref_slice %arg14[%dma_wait3A_68] : memref<2816xf32, #tpu.memory_space<vmem>> -> memref<2816xf32, #tpu.memory_space<vmem>>
      tpu.wait_dma2 semaphore(%run_scoped3A_51 : memref<!tpu.dma_semaphore, #tpu.memory_space<semaphore_mem>>) src(%dma_wait3A_69 : memref<2816xf32, #tpu.memory_space<vmem>>) dst(%dma_wait3A_67 : memref<2816xf32, #tpu.memory_space<hbm>>)
      tpu.yield
    }) : () -> ()
    %run_scoped3A_50 = arith.constant 0 : i32
    "tpu.region"() ({
      %run_scoped3A_51 = tpu.sem_alloc : memref<!tpu.dma_semaphore, #tpu.memory_space<semaphore_mem>>
      %dma_start3A = arith.constant 0 : i32
      %dma_start3A_52 = tpu.memref_slice %arg15[%dma_start3A] : memref<2816xi32, #tpu.memory_space<vmem>> -> memref<2816xi32, #tpu.memory_space<vmem>>
      %dma_start3A_53 = arith.constant 0 : i32
      %dma_start3A_54 = tpu.memref_slice %arg8[%arg0, %arg1, %run_scoped3A_50, %dma_start3A_53] : memref<2x16x1x2816xi32, #tpu.memory_space<hbm>> -> memref<1x1x1x2816xi32, #tpu.memory_space<hbm>>
      %dma_start3A_55 = tpu.memref_squeeze %dma_start3A_54 : memref<1x1x1x2816xi32, #tpu.memory_space<hbm>> -> memref<2816xi32, #tpu.memory_space<hbm>>
      %dma_start3A_56 = arith.constant 0 : i32
      %dma_start3A_57 = tpu.memref_slice %arg8[%arg0, %arg1, %run_scoped3A_50, %dma_start3A_56] : memref<2x16x1x2816xi32, #tpu.memory_space<hbm>> -> memref<1x1x1x2816xi32, #tpu.memory_space<hbm>>
      %dma_start3A_58 = tpu.memref_squeeze %dma_start3A_57 : memref<1x1x1x2816xi32, #tpu.memory_space<hbm>> -> memref<2816xi32, #tpu.memory_space<hbm>>
      %dma_start3A_59 = arith.constant 0 : i32
      %dma_start3A_60 = tpu.memref_slice %arg15[%dma_start3A_59] : memref<2816xi32, #tpu.memory_space<vmem>> -> memref<2816xi32, #tpu.memory_space<vmem>>
      tpu.enqueue_dma source(%dma_start3A_60 : memref<2816xi32, #tpu.memory_space<vmem>>) target(%dma_start3A_58 : memref<2816xi32, #tpu.memory_space<hbm>>) target_semaphore(%run_scoped3A_51 : memref<!tpu.dma_semaphore, #tpu.memory_space<semaphore_mem>>)
      %dma_wait3A = arith.constant 0 : i32
      %dma_wait3A_61 = tpu.memref_slice %arg15[%dma_wait3A] : memref<2816xi32, #tpu.memory_space<vmem>> -> memref<2816xi32, #tpu.memory_space<vmem>>
      %dma_wait3A_62 = arith.constant 0 : i32
      %dma_wait3A_63 = tpu.memref_slice %arg8[%arg0, %arg1, %run_scoped3A_50, %dma_wait3A_62] : memref<2x16x1x2816xi32, #tpu.memory_space<hbm>> -> memref<1x1x1x2816xi32, #tpu.memory_space<hbm>>
      %dma_wait3A_64 = tpu.memref_squeeze %dma_wait3A_63 : memref<1x1x1x2816xi32, #tpu.memory_space<hbm>> -> memref<2816xi32, #tpu.memory_space<hbm>>
      %dma_wait3A_65 = arith.constant 0 : i32
      %dma_wait3A_66 = tpu.memref_slice %arg8[%arg0, %arg1, %run_scoped3A_50, %dma_wait3A_65] : memref<2x16x1x2816xi32, #tpu.memory_space<hbm>> -> memref<1x1x1x2816xi32, #tpu.memory_space<hbm>>
      %dma_wait3A_67 = tpu.memref_squeeze %dma_wait3A_66 : memref<1x1x1x2816xi32, #tpu.memory_space<hbm>> -> memref<2816xi32, #tpu.memory_space<hbm>>
      %dma_wait3A_68 = arith.constant 0 : i32
      %dma_wait3A_69 = tpu.memref_slice %arg15[%dma_wait3A_68] : memref<2816xi32, #tpu.memory_space<vmem>> -> memref<2816xi32, #tpu.memory_space<vmem>>
      tpu.wait_dma2 semaphore(%run_scoped3A_51 : memref<!tpu.dma_semaphore, #tpu.memory_space<semaphore_mem>>) src(%dma_wait3A_69 : memref<2816xi32, #tpu.memory_space<vmem>>) dst(%dma_wait3A_67 : memref<2816xi32, #tpu.memory_space<hbm>>)
      tpu.yield
    }) : () -> ()
    return
  }
}

module attributes {stable_mosaic.version = 14 : i64} {
  func.func @_raster_body(%arg0: i32, %arg1: i32, %arg2: memref<1x1x1x2816xf32, #tpu.memory_space<vmem>>, %arg3: memref<1x1x1x2816xf32, #tpu.memory_space<vmem>>, %arg4: memref<1x1x1x2816xf32, #tpu.memory_space<vmem>>, %arg5: memref<1x1x1x2816xi32, #tpu.memory_space<vmem>>, %arg6: memref<1x8192x64xf32, #tpu.memory_space<vmem>>, %arg7: memref<1x64x256xf32, #tpu.memory_space<vmem>>, %arg8: memref<1x1x256xf32, #tpu.memory_space<vmem>>, %arg9: memref<1x1x256xf32, #tpu.memory_space<vmem>>, %arg10: memref<1x8x256xi32, #tpu.memory_space<vmem>>, %arg11: memref<1x256x8xf32, #tpu.memory_space<vmem>>, %arg12: memref<1x256x8xf32, #tpu.memory_space<vmem>>, %arg13: memref<1x8x256xf32, #tpu.memory_space<vmem>>) attributes {dimension_semantics = [#tpu.dimension_semantics<arbitrary>, #tpu.dimension_semantics<arbitrary>], iteration_bounds = array<i64: 2, 16>, scalar_prefetch = 0 : i64, scratch_operands = 0 : i64, tpu.core_type = #tpu.core_type<tc>, window_params = [{transform_indices = @transform_0, window_bounds = array<i64: 1, 1, 1, 2816>}, {transform_indices = @transform_1, window_bounds = array<i64: 1, 1, 1, 2816>}, {transform_indices = @transform_2, window_bounds = array<i64: 1, 1, 1, 2816>}, {transform_indices = @transform_3, window_bounds = array<i64: 1, 1, 1, 2816>}, {transform_indices = @transform_4, window_bounds = array<i64: 1, 8192, 64>}, {transform_indices = @transform_5, window_bounds = array<i64: 1, 64, 256>}, {transform_indices = @transform_6, window_bounds = array<i64: 1, 1, 256>}, {transform_indices = @transform_7, window_bounds = array<i64: 1, 1, 256>}, {transform_indices = @transform_8, window_bounds = array<i64: 1, 8, 256>}, {transform_indices = @transform_9, window_bounds = array<i64: 1, 256, 8>}, {transform_indices = @transform_10, window_bounds = array<i64: 1, 256, 8>}, {transform_indices = @transform_11, window_bounds = array<i64: 1, 8, 256>}]} {
    %iota3A = tpu.iota {dimensions = array<i32: 0>} : vector<256x1xi32>
    %mul3A = arith.constant 4 : i32
    %mul3A_0 = arith.muli %arg1, %mul3A : i32
    %jit3A = arith.constant 64 : i32
    %div3A = vector.broadcast %jit3A : i32 to vector<256x1xi32>
    %div3A_1 = arith.divsi %iota3A, %div3A : vector<256x1xi32>
    %sign3A = arith.constant 0 : i32
    %sign3A_2 = vector.broadcast %sign3A : i32 to vector<256x1xi32>
    %sign3A_3 = arith.cmpi sgt, %iota3A, %sign3A_2 : vector<256x1xi32>
    %sign3A_4 = arith.extui %sign3A_3 : vector<256x1xi1> to vector<256x1xi32>
    %sign3A_5 = arith.constant 0 : i32
    %sign3A_6 = vector.broadcast %sign3A_5 : i32 to vector<256x1xi32>
    %sign3A_7 = arith.cmpi slt, %iota3A, %sign3A_6 : vector<256x1xi32>
    %sign3A_8 = arith.extui %sign3A_7 : vector<256x1xi1> to vector<256x1xi32>
    %sign3A_9 = arith.subi %sign3A_4, %sign3A_8 : vector<256x1xi32>
    %sign3A_10 = arith.constant 0 : i32
    %sign3A_11 = arith.cmpi sgt, %jit3A, %sign3A_10 : i32
    %sign3A_12 = arith.extui %sign3A_11 : i1 to i32
    %sign3A_13 = arith.constant 0 : i32
    %sign3A_14 = arith.cmpi slt, %jit3A, %sign3A_13 : i32
    %sign3A_15 = arith.extui %sign3A_14 : i1 to i32
    %sign3A_16 = arith.subi %sign3A_12, %sign3A_15 : i32
    %ne3A = vector.broadcast %sign3A_16 : i32 to vector<256x1xi32>
    %ne3A_17 = arith.cmpi ne, %sign3A_9, %ne3A : vector<256x1xi32>
    %rem3A = vector.broadcast %jit3A : i32 to vector<256x1xi32>
    %rem3A_18 = arith.remsi %iota3A, %rem3A : vector<256x1xi32>
    %ne3A_19 = arith.constant 0 : i32
    %ne3A_20 = vector.broadcast %ne3A_19 : i32 to vector<256x1xi32>
    %ne3A_21 = arith.cmpi ne, %rem3A_18, %ne3A_20 : vector<256x1xi32>
    %and3A = arith.andi %ne3A_17, %ne3A_21 : vector<256x1xi1>
    %sub3A = arith.constant 1 : i32
    %sub3A_22 = vector.broadcast %sub3A : i32 to vector<256x1xi32>
    %sub3A_23 = arith.subi %div3A_1, %sub3A_22 : vector<256x1xi32>
    %select_n3A = arith.select %and3A, %sub3A_23, %div3A_1 : vector<256x1xi1>, vector<256x1xi32>
    %add3A = vector.broadcast %mul3A_0 : i32 to vector<256x1xi32>
    %add3A_24 = arith.addi %add3A, %select_n3A : vector<256x1xi32>
    %jit3A_25 = arith.constant 64 : i32
    %eq3A = arith.constant 0 : i32
    %eq3A_26 = arith.cmpi eq, %jit3A_25, %eq3A : i32
    %jit3A_27 = arith.constant 1 : i32
    %select_n3A_28 = arith.select %eq3A_26, %jit3A_27, %jit3A_25 : i32
    %rem3A_29 = vector.broadcast %select_n3A_28 : i32 to vector<256x1xi32>
    %rem3A_30 = arith.remsi %iota3A, %rem3A_29 : vector<256x1xi32>
    %ne3A_31 = arith.constant 0 : i32
    %ne3A_32 = vector.broadcast %ne3A_31 : i32 to vector<256x1xi32>
    %ne3A_33 = arith.cmpi ne, %rem3A_30, %ne3A_32 : vector<256x1xi32>
    %lt3A = arith.constant 0 : i32
    %lt3A_34 = vector.broadcast %lt3A : i32 to vector<256x1xi32>
    %lt3A_35 = arith.cmpi slt, %rem3A_30, %lt3A_34 : vector<256x1xi32>
    %lt3A_36 = arith.constant 0 : i32
    %lt3A_37 = arith.cmpi slt, %select_n3A_28, %lt3A_36 : i32
    %ne3A_38 = vector.broadcast %lt3A_37 : i1 to vector<256x1xi1>
    %ne3A_39 = vector.broadcast %ne3A_38 : vector<256x1xi1> to vector<256x1xi1>
    %ne3A_40 = arith.xori %lt3A_35, %ne3A_39 : vector<256x1xi1>
    %and3A_41 = arith.andi %ne3A_40, %ne3A_33 : vector<256x1xi1>
    %add3A_42 = vector.broadcast %select_n3A_28 : i32 to vector<256x1xi32>
    %add3A_43 = arith.addi %rem3A_30, %add3A_42 : vector<256x1xi32>
    %select_n3A_44 = arith.select %and3A_41, %add3A_43, %rem3A_30 : vector<256x1xi1>, vector<256x1xi32>
    %convert_element_type3A = arith.sitofp %select_n3A_44 : vector<256x1xi32> to vector<256x1xf32>
    %mul3A_45 = arith.constant 2.000000e+00 : f32
    %mul3A_46 = vector.broadcast %mul3A_45 : f32 to vector<256x1xf32>
    %mul3A_47 = arith.mulf %mul3A_46, %convert_element_type3A : vector<256x1xf32>
    %add3A_48 = arith.constant 1.000000e+00 : f32
    %add3A_49 = vector.broadcast %add3A_48 : f32 to vector<256x1xf32>
    %add3A_50 = arith.addf %mul3A_47, %add3A_49 : vector<256x1xf32>
    %div3A_51 = arith.constant 6.400000e+01 : f32
    %div3A_52 = vector.broadcast %div3A_51 : f32 to vector<256x1xf32>
    %div3A_53 = arith.divf %add3A_50, %div3A_52 : vector<256x1xf32>
    %sub3A_54 = arith.constant 1.000000e+00 : f32
    %sub3A_55 = vector.broadcast %sub3A_54 : f32 to vector<256x1xf32>
    %sub3A_56 = arith.subf %sub3A_55, %div3A_53 : vector<256x1xf32>
    %convert_element_type3A_57 = arith.sitofp %add3A_24 : vector<256x1xi32> to vector<256x1xf32>
    %mul3A_58 = arith.constant 2.000000e+00 : f32
    %mul3A_59 = vector.broadcast %mul3A_58 : f32 to vector<256x1xf32>
    %mul3A_60 = arith.mulf %mul3A_59, %convert_element_type3A_57 : vector<256x1xf32>
    %add3A_61 = arith.constant 1.000000e+00 : f32
    %add3A_62 = vector.broadcast %add3A_61 : f32 to vector<256x1xf32>
    %add3A_63 = arith.addf %mul3A_60, %add3A_62 : vector<256x1xf32>
    %div3A_64 = arith.constant 6.400000e+01 : f32
    %div3A_65 = vector.broadcast %div3A_64 : f32 to vector<256x1xf32>
    %div3A_66 = arith.divf %add3A_63, %div3A_65 : vector<256x1xf32>
    %sub3A_67 = arith.constant 1.000000e+00 : f32
    %sub3A_68 = vector.broadcast %sub3A_67 : f32 to vector<256x1xf32>
    %sub3A_69 = arith.subf %sub3A_68, %div3A_66 : vector<256x1xf32>
    %get3A = arith.constant 0 : index
    %get3A_70 = arith.constant 0 : index
    %get3A_71 = arith.constant 0 : index
    %get3A_72 = arith.constant 0 : index
    %get3A_73 = vector.load %arg2[%get3A, %get3A_70, %get3A_71, %get3A_72] : memref<1x1x1x2816xf32, #tpu.memory_space<vmem>>, vector<1x1x1x2816xf32>
    %get3A_74 = vector.shape_cast %get3A_73 : vector<1x1x1x2816xf32> to vector<1x2816xf32>
    %get3A_75 = arith.constant 0 : index
    %get3A_76 = arith.constant 0 : index
    %get3A_77 = arith.constant 0 : index
    %get3A_78 = arith.constant 0 : index
    %get3A_79 = vector.load %arg3[%get3A_75, %get3A_76, %get3A_77, %get3A_78] : memref<1x1x1x2816xf32, #tpu.memory_space<vmem>>, vector<1x1x1x2816xf32>
    %get3A_80 = vector.shape_cast %get3A_79 : vector<1x1x1x2816xf32> to vector<1x2816xf32>
    %get3A_81 = arith.constant 0 : index
    %get3A_82 = arith.constant 0 : index
    %get3A_83 = arith.constant 0 : index
    %get3A_84 = arith.constant 0 : index
    %get3A_85 = vector.load %arg4[%get3A_81, %get3A_82, %get3A_83, %get3A_84] : memref<1x1x1x2816xf32, #tpu.memory_space<vmem>>, vector<1x1x1x2816xf32>
    %get3A_86 = vector.shape_cast %get3A_85 : vector<1x1x1x2816xf32> to vector<1x2816xf32>
    %get3A_87 = arith.constant 0 : index
    %get3A_88 = arith.constant 0 : index
    %get3A_89 = arith.constant 0 : index
    %get3A_90 = arith.constant 0 : index
    %get3A_91 = vector.load %arg5[%get3A_87, %get3A_88, %get3A_89, %get3A_90] : memref<1x1x1x2816xi32, #tpu.memory_space<vmem>>, vector<1x1x1x2816xi32>
    %get3A_92 = vector.shape_cast %get3A_91 : vector<1x1x1x2816xi32> to vector<1x2816xi32>
    %mul3A_93 = arith.mulf %sub3A_56, %sub3A_56 : vector<256x1xf32>
    %mul3A_94 = arith.mulf %sub3A_69, %sub3A_69 : vector<256x1xf32>
    %add3A_95 = arith.addf %mul3A_93, %mul3A_94 : vector<256x1xf32>
    %mul3A_96 = arith.mulf %get3A_74, %get3A_74 : vector<1x2816xf32>
    %mul3A_97 = arith.mulf %get3A_80, %get3A_80 : vector<1x2816xf32>
    %add3A_98 = arith.addf %mul3A_96, %mul3A_97 : vector<1x2816xf32>
    %convert_element_type3A_99 = arith.truncf %sub3A_56 : vector<256x1xf32> to vector<256x1xbf16>
    %convert_element_type3A_100 = arith.extf %convert_element_type3A_99 : vector<256x1xbf16> to vector<256x1xf32>
    %convert_element_type3A_101 = arith.truncf %get3A_74 : vector<1x2816xf32> to vector<1x2816xbf16>
    %convert_element_type3A_102 = arith.extf %convert_element_type3A_101 : vector<1x2816xbf16> to vector<1x2816xf32>
    %mul3A_103 = vector.broadcast %convert_element_type3A_100 : vector<256x1xf32> to vector<256x2816xf32>
    %mul3A_104 = vector.broadcast %convert_element_type3A_102 : vector<1x2816xf32> to vector<256x2816xf32>
    %mul3A_105 = arith.mulf %mul3A_103, %mul3A_104 : vector<256x2816xf32>
    %convert_element_type3A_106 = arith.truncf %sub3A_69 : vector<256x1xf32> to vector<256x1xbf16>
    %convert_element_type3A_107 = arith.extf %convert_element_type3A_106 : vector<256x1xbf16> to vector<256x1xf32>
    %convert_element_type3A_108 = arith.truncf %get3A_80 : vector<1x2816xf32> to vector<1x2816xbf16>
    %convert_element_type3A_109 = arith.extf %convert_element_type3A_108 : vector<1x2816xbf16> to vector<1x2816xf32>
    %mul3A_110 = vector.broadcast %convert_element_type3A_107 : vector<256x1xf32> to vector<256x2816xf32>
    %mul3A_111 = vector.broadcast %convert_element_type3A_109 : vector<1x2816xf32> to vector<256x2816xf32>
    %mul3A_112 = arith.mulf %mul3A_110, %mul3A_111 : vector<256x2816xf32>
    %add3A_113 = arith.addf %mul3A_105, %mul3A_112 : vector<256x2816xf32>
    %add3A_114 = vector.broadcast %add3A_95 : vector<256x1xf32> to vector<256x2816xf32>
    %add3A_115 = vector.broadcast %add3A_98 : vector<1x2816xf32> to vector<256x2816xf32>
    %add3A_116 = arith.addf %add3A_114, %add3A_115 : vector<256x2816xf32>
    %mul3A_117 = arith.constant 2.000000e+00 : f32
    %mul3A_118 = vector.broadcast %mul3A_117 : f32 to vector<256x2816xf32>
    %mul3A_119 = arith.mulf %mul3A_118, %add3A_113 : vector<256x2816xf32>
    %sub3A_120 = arith.subf %add3A_116, %mul3A_119 : vector<256x2816xf32>
    %le3A = arith.constant 3.906250e-03 : f32
    %le3A_121 = vector.broadcast %le3A : f32 to vector<256x2816xf32>
    %le3A_122 = arith.cmpf ole, %sub3A_120, %le3A_121 : vector<256x2816xf32>
    %gt3A = arith.constant 0.000000e+00 : f32
    %gt3A_123 = vector.broadcast %gt3A : f32 to vector<1x2816xf32>
    %gt3A_124 = arith.cmpf ogt, %get3A_86, %gt3A_123 : vector<1x2816xf32>
    %and3A_125 = vector.broadcast %gt3A_124 : vector<1x2816xi1> to vector<256x2816xi1>
    %and3A_126 = arith.andi %le3A_122, %and3A_125 : vector<256x2816xi1>
    %broadcast_in_dim3A = vector.shape_cast %get3A_86 : vector<1x2816xf32> to vector<1x2816xf32>
    %broadcast_in_dim3A_127 = vector.broadcast %broadcast_in_dim3A : vector<1x2816xf32> to vector<256x2816xf32>
    %jit3A_128 = arith.constant 0x7F800000 : f32
    %broadcast_in_dim3A_129 = vector.broadcast %jit3A_128 : f32 to vector<256x2816xf32>
    %select_n3A_130 = arith.select %and3A_126, %broadcast_in_dim3A_127, %broadcast_in_dim3A_129 : vector<256x2816xi1>, vector<256x2816xf32>
    %reduce_min3A = arith.constant dense<0x7F800000> : vector<256xf32>
    %reduce_min3A_131 = vector.multi_reduction <minimumf>, %select_n3A_130, %reduce_min3A [1] : vector<256x2816xf32> to vector<256xf32>
    %broadcast_in_dim3A_132 = vector.shape_cast %reduce_min3A_131 : vector<256xf32> to vector<256x1xf32>
    %lt3A_133 = arith.constant 0x7F800000 : f32
    %lt3A_134 = vector.broadcast %lt3A_133 : f32 to vector<256x1xf32>
    %lt3A_135 = arith.cmpf olt, %broadcast_in_dim3A_132, %lt3A_134 : vector<256x1xf32>
    %eq3A_136 = vector.broadcast %broadcast_in_dim3A_132 : vector<256x1xf32> to vector<256x2816xf32>
    %eq3A_137 = arith.cmpf oeq, %select_n3A_130, %eq3A_136 : vector<256x2816xf32>
    %jit3A_138 = arith.constant 1073741824 : i32
    %broadcast_in_dim3A_139 = vector.shape_cast %get3A_92 : vector<1x2816xi32> to vector<1x2816xi32>
    %broadcast_in_dim3A_140 = vector.broadcast %broadcast_in_dim3A_139 : vector<1x2816xi32> to vector<256x2816xi32>
    %broadcast_in_dim3A_141 = vector.broadcast %jit3A_138 : i32 to vector<256x2816xi32>
    %select_n3A_142 = arith.select %eq3A_137, %broadcast_in_dim3A_140, %broadcast_in_dim3A_141 : vector<256x2816xi1>, vector<256x2816xi32>
    %reduce_min3A_143 = arith.constant dense<2147483647> : vector<256xi32>
    %reduce_min3A_144 = vector.multi_reduction <minsi>, %select_n3A_142, %reduce_min3A_143 [1] : vector<256x2816xi32> to vector<256xi32>
    %broadcast_in_dim3A_145 = vector.shape_cast %reduce_min3A_144 : vector<256xi32> to vector<256x1xi32>
    %eq3A_146 = vector.broadcast %get3A_92 : vector<1x2816xi32> to vector<256x2816xi32>
    %eq3A_147 = vector.broadcast %broadcast_in_dim3A_145 : vector<256x1xi32> to vector<256x2816xi32>
    %eq3A_148 = arith.cmpi eq, %eq3A_146, %eq3A_147 : vector<256x2816xi32>
    %and3A_149 = arith.andi %eq3A_137, %eq3A_148 : vector<256x2816xi1>
    %jit3A_150 = arith.constant -1.000000e+00 : f32
    %broadcast_in_dim3A_151 = vector.broadcast %jit3A_150 : f32 to vector<256x2816xf32>
    %select_n3A_152 = arith.select %and3A_149, %sub3A_120, %broadcast_in_dim3A_151 : vector<256x2816xi1>, vector<256x2816xf32>
    %reduce_max3A = arith.constant dense<0xFF800000> : vector<256xf32>
    %reduce_max3A_153 = vector.multi_reduction <maximumf>, %select_n3A_152, %reduce_max3A [1] : vector<256x2816xf32> to vector<256xf32>
    %broadcast_in_dim3A_154 = vector.shape_cast %reduce_max3A_153 : vector<256xf32> to vector<256x1xf32>
    %jit3A_155 = arith.constant 0x7F800000 : f32
    %broadcast_in_dim3A_156 = vector.broadcast %jit3A_155 : f32 to vector<256x2816xf32>
    %select_n3A_157 = arith.select %and3A_149, %broadcast_in_dim3A_156, %select_n3A_130 : vector<256x2816xi1>, vector<256x2816xf32>
    %div3A_158 = arith.constant 3.906250e-03 : f32
    %div3A_159 = vector.broadcast %div3A_158 : f32 to vector<256x1xf32>
    %div3A_160 = arith.divf %broadcast_in_dim3A_154, %div3A_159 : vector<256x1xf32>
    %max3A = arith.constant 0.000000e+00 : f32
    %max3A_161 = vector.broadcast %max3A : f32 to vector<256x1xf32>
    %max3A_162 = arith.maximumf %div3A_160, %max3A_161 : vector<256x1xf32>
    %neg3A = arith.constant 0.000000e+00 : f32
    %neg3A_163 = vector.broadcast %neg3A : f32 to vector<256x1xf32>
    %neg3A_164 = arith.subf %neg3A_163, %max3A_162 : vector<256x1xf32>
    %exp3A = math.exp %neg3A_164 : vector<256x1xf32>
    %jit3A_165 = arith.constant 0.000000e+00 : f32
    %jit3A_166 = arith.constant 9.900000e-01 : f32
    %max3A_167 = vector.broadcast %jit3A_165 : f32 to vector<256x1xf32>
    %max3A_168 = arith.maximumf %max3A_167, %exp3A : vector<256x1xf32>
    %min3A = vector.broadcast %jit3A_166 : f32 to vector<256x1xf32>
    %min3A_169 = arith.minimumf %min3A, %max3A_168 : vector<256x1xf32>
    %jit3A_170 = arith.constant -1 : i32
    %broadcast_in_dim3A_171 = vector.broadcast %jit3A_170 : i32 to vector<256x1xi32>
    %select_n3A_172 = arith.select %lt3A_135, %broadcast_in_dim3A_145, %broadcast_in_dim3A_171 : vector<256x1xi1>, vector<256x1xi32>
    %jit3A_173 = arith.constant -1 : i32
    %broadcast_in_dim3A_174 = vector.broadcast %jit3A_173 : i32 to vector<256x1xi32>
    %select_n3A_175 = arith.select %lt3A_135, %broadcast_in_dim3A_145, %broadcast_in_dim3A_174 : vector<256x1xi1>, vector<256x1xi32>
    %jit3A_176 = arith.constant -1.000000e+00 : f32
    %broadcast_in_dim3A_177 = vector.broadcast %jit3A_176 : f32 to vector<256x1xf32>
    %select_n3A_178 = arith.select %lt3A_135, %broadcast_in_dim3A_132, %broadcast_in_dim3A_177 : vector<256x1xi1>, vector<256x1xf32>
    %jit3A_179 = arith.constant -1.000000e+00 : f32
    %broadcast_in_dim3A_180 = vector.broadcast %jit3A_179 : f32 to vector<256x1xf32>
    %select_n3A_181 = arith.select %lt3A_135, %broadcast_in_dim3A_154, %broadcast_in_dim3A_180 : vector<256x1xi1>, vector<256x1xf32>
    %jit3A_182 = arith.constant 9.900000e-01 : f32
    %broadcast_in_dim3A_183 = vector.broadcast %jit3A_182 : f32 to vector<256x1xf32>
    %select_n3A_184 = arith.select %lt3A_135, %min3A_169, %broadcast_in_dim3A_183 : vector<256x1xi1>, vector<256x1xf32>
    %reduce_min3A_185 = arith.constant dense<0x7F800000> : vector<256xf32>
    %reduce_min3A_186 = vector.multi_reduction <minimumf>, %select_n3A_157, %reduce_min3A_185 [1] : vector<256x2816xf32> to vector<256xf32>
    %broadcast_in_dim3A_187 = vector.shape_cast %reduce_min3A_186 : vector<256xf32> to vector<256x1xf32>
    %lt3A_188 = arith.constant 0x7F800000 : f32
    %lt3A_189 = vector.broadcast %lt3A_188 : f32 to vector<256x1xf32>
    %lt3A_190 = arith.cmpf olt, %broadcast_in_dim3A_187, %lt3A_189 : vector<256x1xf32>
    %eq3A_191 = vector.broadcast %broadcast_in_dim3A_187 : vector<256x1xf32> to vector<256x2816xf32>
    %eq3A_192 = arith.cmpf oeq, %select_n3A_157, %eq3A_191 : vector<256x2816xf32>
    %jit3A_193 = arith.constant 1073741824 : i32
    %broadcast_in_dim3A_194 = vector.shape_cast %get3A_92 : vector<1x2816xi32> to vector<1x2816xi32>
    %broadcast_in_dim3A_195 = vector.broadcast %broadcast_in_dim3A_194 : vector<1x2816xi32> to vector<256x2816xi32>
    %broadcast_in_dim3A_196 = vector.broadcast %jit3A_193 : i32 to vector<256x2816xi32>
    %select_n3A_197 = arith.select %eq3A_192, %broadcast_in_dim3A_195, %broadcast_in_dim3A_196 : vector<256x2816xi1>, vector<256x2816xi32>
    %reduce_min3A_198 = arith.constant dense<2147483647> : vector<256xi32>
    %reduce_min3A_199 = vector.multi_reduction <minsi>, %select_n3A_197, %reduce_min3A_198 [1] : vector<256x2816xi32> to vector<256xi32>
    %broadcast_in_dim3A_200 = vector.shape_cast %reduce_min3A_199 : vector<256xi32> to vector<256x1xi32>
    %eq3A_201 = vector.broadcast %get3A_92 : vector<1x2816xi32> to vector<256x2816xi32>
    %eq3A_202 = vector.broadcast %broadcast_in_dim3A_200 : vector<256x1xi32> to vector<256x2816xi32>
    %eq3A_203 = arith.cmpi eq, %eq3A_201, %eq3A_202 : vector<256x2816xi32>
    %and3A_204 = arith.andi %eq3A_192, %eq3A_203 : vector<256x2816xi1>
    %jit3A_205 = arith.constant -1.000000e+00 : f32
    %broadcast_in_dim3A_206 = vector.broadcast %jit3A_205 : f32 to vector<256x2816xf32>
    %select_n3A_207 = arith.select %and3A_204, %sub3A_120, %broadcast_in_dim3A_206 : vector<256x2816xi1>, vector<256x2816xf32>
    %reduce_max3A_208 = arith.constant dense<0xFF800000> : vector<256xf32>
    %reduce_max3A_209 = vector.multi_reduction <maximumf>, %select_n3A_207, %reduce_max3A_208 [1] : vector<256x2816xf32> to vector<256xf32>
    %broadcast_in_dim3A_210 = vector.shape_cast %reduce_max3A_209 : vector<256xf32> to vector<256x1xf32>
    %jit3A_211 = arith.constant 0x7F800000 : f32
    %broadcast_in_dim3A_212 = vector.broadcast %jit3A_211 : f32 to vector<256x2816xf32>
    %select_n3A_213 = arith.select %and3A_204, %broadcast_in_dim3A_212, %select_n3A_157 : vector<256x2816xi1>, vector<256x2816xf32>
    %div3A_214 = arith.constant 3.906250e-03 : f32
    %div3A_215 = vector.broadcast %div3A_214 : f32 to vector<256x1xf32>
    %div3A_216 = arith.divf %broadcast_in_dim3A_210, %div3A_215 : vector<256x1xf32>
    %max3A_217 = arith.constant 0.000000e+00 : f32
    %max3A_218 = vector.broadcast %max3A_217 : f32 to vector<256x1xf32>
    %max3A_219 = arith.maximumf %div3A_216, %max3A_218 : vector<256x1xf32>
    %neg3A_220 = arith.constant 0.000000e+00 : f32
    %neg3A_221 = vector.broadcast %neg3A_220 : f32 to vector<256x1xf32>
    %neg3A_222 = arith.subf %neg3A_221, %max3A_219 : vector<256x1xf32>
    %exp3A_223 = math.exp %neg3A_222 : vector<256x1xf32>
    %jit3A_224 = arith.constant 0.000000e+00 : f32
    %jit3A_225 = arith.constant 9.900000e-01 : f32
    %max3A_226 = vector.broadcast %jit3A_224 : f32 to vector<256x1xf32>
    %max3A_227 = arith.maximumf %max3A_226, %exp3A_223 : vector<256x1xf32>
    %min3A_228 = vector.broadcast %jit3A_225 : f32 to vector<256x1xf32>
    %min3A_229 = arith.minimumf %min3A_228, %max3A_227 : vector<256x1xf32>
    %jit3A_230 = arith.constant -1 : i32
    %broadcast_in_dim3A_231 = vector.broadcast %jit3A_230 : i32 to vector<256x1xi32>
    %select_n3A_232 = arith.select %lt3A_190, %broadcast_in_dim3A_200, %broadcast_in_dim3A_231 : vector<256x1xi1>, vector<256x1xi32>
    %jit3A_233 = arith.constant -1 : i32
    %broadcast_in_dim3A_234 = vector.broadcast %jit3A_233 : i32 to vector<256x1xi32>
    %select_n3A_235 = arith.select %lt3A_190, %broadcast_in_dim3A_200, %broadcast_in_dim3A_234 : vector<256x1xi1>, vector<256x1xi32>
    %jit3A_236 = arith.constant -1.000000e+00 : f32
    %broadcast_in_dim3A_237 = vector.broadcast %jit3A_236 : f32 to vector<256x1xf32>
    %select_n3A_238 = arith.select %lt3A_190, %broadcast_in_dim3A_187, %broadcast_in_dim3A_237 : vector<256x1xi1>, vector<256x1xf32>
    %jit3A_239 = arith.constant -1.000000e+00 : f32
    %broadcast_in_dim3A_240 = vector.broadcast %jit3A_239 : f32 to vector<256x1xf32>
    %select_n3A_241 = arith.select %lt3A_190, %broadcast_in_dim3A_210, %broadcast_in_dim3A_240 : vector<256x1xi1>, vector<256x1xf32>
    %jit3A_242 = arith.constant 9.900000e-01 : f32
    %broadcast_in_dim3A_243 = vector.broadcast %jit3A_242 : f32 to vector<256x1xf32>
    %select_n3A_244 = arith.select %lt3A_190, %min3A_229, %broadcast_in_dim3A_243 : vector<256x1xi1>, vector<256x1xf32>
    %reduce_min3A_245 = arith.constant dense<0x7F800000> : vector<256xf32>
    %reduce_min3A_246 = vector.multi_reduction <minimumf>, %select_n3A_213, %reduce_min3A_245 [1] : vector<256x2816xf32> to vector<256xf32>
    %broadcast_in_dim3A_247 = vector.shape_cast %reduce_min3A_246 : vector<256xf32> to vector<256x1xf32>
    %lt3A_248 = arith.constant 0x7F800000 : f32
    %lt3A_249 = vector.broadcast %lt3A_248 : f32 to vector<256x1xf32>
    %lt3A_250 = arith.cmpf olt, %broadcast_in_dim3A_247, %lt3A_249 : vector<256x1xf32>
    %eq3A_251 = vector.broadcast %broadcast_in_dim3A_247 : vector<256x1xf32> to vector<256x2816xf32>
    %eq3A_252 = arith.cmpf oeq, %select_n3A_213, %eq3A_251 : vector<256x2816xf32>
    %jit3A_253 = arith.constant 1073741824 : i32
    %broadcast_in_dim3A_254 = vector.shape_cast %get3A_92 : vector<1x2816xi32> to vector<1x2816xi32>
    %broadcast_in_dim3A_255 = vector.broadcast %broadcast_in_dim3A_254 : vector<1x2816xi32> to vector<256x2816xi32>
    %broadcast_in_dim3A_256 = vector.broadcast %jit3A_253 : i32 to vector<256x2816xi32>
    %select_n3A_257 = arith.select %eq3A_252, %broadcast_in_dim3A_255, %broadcast_in_dim3A_256 : vector<256x2816xi1>, vector<256x2816xi32>
    %reduce_min3A_258 = arith.constant dense<2147483647> : vector<256xi32>
    %reduce_min3A_259 = vector.multi_reduction <minsi>, %select_n3A_257, %reduce_min3A_258 [1] : vector<256x2816xi32> to vector<256xi32>
    %broadcast_in_dim3A_260 = vector.shape_cast %reduce_min3A_259 : vector<256xi32> to vector<256x1xi32>
    %eq3A_261 = vector.broadcast %get3A_92 : vector<1x2816xi32> to vector<256x2816xi32>
    %eq3A_262 = vector.broadcast %broadcast_in_dim3A_260 : vector<256x1xi32> to vector<256x2816xi32>
    %eq3A_263 = arith.cmpi eq, %eq3A_261, %eq3A_262 : vector<256x2816xi32>
    %and3A_264 = arith.andi %eq3A_252, %eq3A_263 : vector<256x2816xi1>
    %jit3A_265 = arith.constant -1.000000e+00 : f32
    %broadcast_in_dim3A_266 = vector.broadcast %jit3A_265 : f32 to vector<256x2816xf32>
    %select_n3A_267 = arith.select %and3A_264, %sub3A_120, %broadcast_in_dim3A_266 : vector<256x2816xi1>, vector<256x2816xf32>
    %reduce_max3A_268 = arith.constant dense<0xFF800000> : vector<256xf32>
    %reduce_max3A_269 = vector.multi_reduction <maximumf>, %select_n3A_267, %reduce_max3A_268 [1] : vector<256x2816xf32> to vector<256xf32>
    %broadcast_in_dim3A_270 = vector.shape_cast %reduce_max3A_269 : vector<256xf32> to vector<256x1xf32>
    %jit3A_271 = arith.constant 0x7F800000 : f32
    %broadcast_in_dim3A_272 = vector.broadcast %jit3A_271 : f32 to vector<256x2816xf32>
    %select_n3A_273 = arith.select %and3A_264, %broadcast_in_dim3A_272, %select_n3A_213 : vector<256x2816xi1>, vector<256x2816xf32>
    %div3A_274 = arith.constant 3.906250e-03 : f32
    %div3A_275 = vector.broadcast %div3A_274 : f32 to vector<256x1xf32>
    %div3A_276 = arith.divf %broadcast_in_dim3A_270, %div3A_275 : vector<256x1xf32>
    %max3A_277 = arith.constant 0.000000e+00 : f32
    %max3A_278 = vector.broadcast %max3A_277 : f32 to vector<256x1xf32>
    %max3A_279 = arith.maximumf %div3A_276, %max3A_278 : vector<256x1xf32>
    %neg3A_280 = arith.constant 0.000000e+00 : f32
    %neg3A_281 = vector.broadcast %neg3A_280 : f32 to vector<256x1xf32>
    %neg3A_282 = arith.subf %neg3A_281, %max3A_279 : vector<256x1xf32>
    %exp3A_283 = math.exp %neg3A_282 : vector<256x1xf32>
    %jit3A_284 = arith.constant 0.000000e+00 : f32
    %jit3A_285 = arith.constant 9.900000e-01 : f32
    %max3A_286 = vector.broadcast %jit3A_284 : f32 to vector<256x1xf32>
    %max3A_287 = arith.maximumf %max3A_286, %exp3A_283 : vector<256x1xf32>
    %min3A_288 = vector.broadcast %jit3A_285 : f32 to vector<256x1xf32>
    %min3A_289 = arith.minimumf %min3A_288, %max3A_287 : vector<256x1xf32>
    %jit3A_290 = arith.constant -1 : i32
    %broadcast_in_dim3A_291 = vector.broadcast %jit3A_290 : i32 to vector<256x1xi32>
    %select_n3A_292 = arith.select %lt3A_250, %broadcast_in_dim3A_260, %broadcast_in_dim3A_291 : vector<256x1xi1>, vector<256x1xi32>
    %jit3A_293 = arith.constant -1 : i32
    %broadcast_in_dim3A_294 = vector.broadcast %jit3A_293 : i32 to vector<256x1xi32>
    %select_n3A_295 = arith.select %lt3A_250, %broadcast_in_dim3A_260, %broadcast_in_dim3A_294 : vector<256x1xi1>, vector<256x1xi32>
    %jit3A_296 = arith.constant -1.000000e+00 : f32
    %broadcast_in_dim3A_297 = vector.broadcast %jit3A_296 : f32 to vector<256x1xf32>
    %select_n3A_298 = arith.select %lt3A_250, %broadcast_in_dim3A_247, %broadcast_in_dim3A_297 : vector<256x1xi1>, vector<256x1xf32>
    %jit3A_299 = arith.constant -1.000000e+00 : f32
    %broadcast_in_dim3A_300 = vector.broadcast %jit3A_299 : f32 to vector<256x1xf32>
    %select_n3A_301 = arith.select %lt3A_250, %broadcast_in_dim3A_270, %broadcast_in_dim3A_300 : vector<256x1xi1>, vector<256x1xf32>
    %jit3A_302 = arith.constant 9.900000e-01 : f32
    %broadcast_in_dim3A_303 = vector.broadcast %jit3A_302 : f32 to vector<256x1xf32>
    %select_n3A_304 = arith.select %lt3A_250, %min3A_289, %broadcast_in_dim3A_303 : vector<256x1xi1>, vector<256x1xf32>
    %reduce_min3A_305 = arith.constant dense<0x7F800000> : vector<256xf32>
    %reduce_min3A_306 = vector.multi_reduction <minimumf>, %select_n3A_273, %reduce_min3A_305 [1] : vector<256x2816xf32> to vector<256xf32>
    %broadcast_in_dim3A_307 = vector.shape_cast %reduce_min3A_306 : vector<256xf32> to vector<256x1xf32>
    %lt3A_308 = arith.constant 0x7F800000 : f32
    %lt3A_309 = vector.broadcast %lt3A_308 : f32 to vector<256x1xf32>
    %lt3A_310 = arith.cmpf olt, %broadcast_in_dim3A_307, %lt3A_309 : vector<256x1xf32>
    %eq3A_311 = vector.broadcast %broadcast_in_dim3A_307 : vector<256x1xf32> to vector<256x2816xf32>
    %eq3A_312 = arith.cmpf oeq, %select_n3A_273, %eq3A_311 : vector<256x2816xf32>
    %jit3A_313 = arith.constant 1073741824 : i32
    %broadcast_in_dim3A_314 = vector.shape_cast %get3A_92 : vector<1x2816xi32> to vector<1x2816xi32>
    %broadcast_in_dim3A_315 = vector.broadcast %broadcast_in_dim3A_314 : vector<1x2816xi32> to vector<256x2816xi32>
    %broadcast_in_dim3A_316 = vector.broadcast %jit3A_313 : i32 to vector<256x2816xi32>
    %select_n3A_317 = arith.select %eq3A_312, %broadcast_in_dim3A_315, %broadcast_in_dim3A_316 : vector<256x2816xi1>, vector<256x2816xi32>
    %reduce_min3A_318 = arith.constant dense<2147483647> : vector<256xi32>
    %reduce_min3A_319 = vector.multi_reduction <minsi>, %select_n3A_317, %reduce_min3A_318 [1] : vector<256x2816xi32> to vector<256xi32>
    %broadcast_in_dim3A_320 = vector.shape_cast %reduce_min3A_319 : vector<256xi32> to vector<256x1xi32>
    %eq3A_321 = vector.broadcast %get3A_92 : vector<1x2816xi32> to vector<256x2816xi32>
    %eq3A_322 = vector.broadcast %broadcast_in_dim3A_320 : vector<256x1xi32> to vector<256x2816xi32>
    %eq3A_323 = arith.cmpi eq, %eq3A_321, %eq3A_322 : vector<256x2816xi32>
    %and3A_324 = arith.andi %eq3A_312, %eq3A_323 : vector<256x2816xi1>
    %jit3A_325 = arith.constant -1.000000e+00 : f32
    %broadcast_in_dim3A_326 = vector.broadcast %jit3A_325 : f32 to vector<256x2816xf32>
    %select_n3A_327 = arith.select %and3A_324, %sub3A_120, %broadcast_in_dim3A_326 : vector<256x2816xi1>, vector<256x2816xf32>
    %reduce_max3A_328 = arith.constant dense<0xFF800000> : vector<256xf32>
    %reduce_max3A_329 = vector.multi_reduction <maximumf>, %select_n3A_327, %reduce_max3A_328 [1] : vector<256x2816xf32> to vector<256xf32>
    %broadcast_in_dim3A_330 = vector.shape_cast %reduce_max3A_329 : vector<256xf32> to vector<256x1xf32>
    %jit3A_331 = arith.constant 0x7F800000 : f32
    %broadcast_in_dim3A_332 = vector.broadcast %jit3A_331 : f32 to vector<256x2816xf32>
    %select_n3A_333 = arith.select %and3A_324, %broadcast_in_dim3A_332, %select_n3A_273 : vector<256x2816xi1>, vector<256x2816xf32>
    %div3A_334 = arith.constant 3.906250e-03 : f32
    %div3A_335 = vector.broadcast %div3A_334 : f32 to vector<256x1xf32>
    %div3A_336 = arith.divf %broadcast_in_dim3A_330, %div3A_335 : vector<256x1xf32>
    %max3A_337 = arith.constant 0.000000e+00 : f32
    %max3A_338 = vector.broadcast %max3A_337 : f32 to vector<256x1xf32>
    %max3A_339 = arith.maximumf %div3A_336, %max3A_338 : vector<256x1xf32>
    %neg3A_340 = arith.constant 0.000000e+00 : f32
    %neg3A_341 = vector.broadcast %neg3A_340 : f32 to vector<256x1xf32>
    %neg3A_342 = arith.subf %neg3A_341, %max3A_339 : vector<256x1xf32>
    %exp3A_343 = math.exp %neg3A_342 : vector<256x1xf32>
    %jit3A_344 = arith.constant 0.000000e+00 : f32
    %jit3A_345 = arith.constant 9.900000e-01 : f32
    %max3A_346 = vector.broadcast %jit3A_344 : f32 to vector<256x1xf32>
    %max3A_347 = arith.maximumf %max3A_346, %exp3A_343 : vector<256x1xf32>
    %min3A_348 = vector.broadcast %jit3A_345 : f32 to vector<256x1xf32>
    %min3A_349 = arith.minimumf %min3A_348, %max3A_347 : vector<256x1xf32>
    %jit3A_350 = arith.constant -1 : i32
    %broadcast_in_dim3A_351 = vector.broadcast %jit3A_350 : i32 to vector<256x1xi32>
    %select_n3A_352 = arith.select %lt3A_310, %broadcast_in_dim3A_320, %broadcast_in_dim3A_351 : vector<256x1xi1>, vector<256x1xi32>
    %jit3A_353 = arith.constant -1 : i32
    %broadcast_in_dim3A_354 = vector.broadcast %jit3A_353 : i32 to vector<256x1xi32>
    %select_n3A_355 = arith.select %lt3A_310, %broadcast_in_dim3A_320, %broadcast_in_dim3A_354 : vector<256x1xi1>, vector<256x1xi32>
    %jit3A_356 = arith.constant -1.000000e+00 : f32
    %broadcast_in_dim3A_357 = vector.broadcast %jit3A_356 : f32 to vector<256x1xf32>
    %select_n3A_358 = arith.select %lt3A_310, %broadcast_in_dim3A_307, %broadcast_in_dim3A_357 : vector<256x1xi1>, vector<256x1xf32>
    %jit3A_359 = arith.constant -1.000000e+00 : f32
    %broadcast_in_dim3A_360 = vector.broadcast %jit3A_359 : f32 to vector<256x1xf32>
    %select_n3A_361 = arith.select %lt3A_310, %broadcast_in_dim3A_330, %broadcast_in_dim3A_360 : vector<256x1xi1>, vector<256x1xf32>
    %jit3A_362 = arith.constant 9.900000e-01 : f32
    %broadcast_in_dim3A_363 = vector.broadcast %jit3A_362 : f32 to vector<256x1xf32>
    %select_n3A_364 = arith.select %lt3A_310, %min3A_349, %broadcast_in_dim3A_363 : vector<256x1xi1>, vector<256x1xf32>
    %reduce_min3A_365 = arith.constant dense<0x7F800000> : vector<256xf32>
    %reduce_min3A_366 = vector.multi_reduction <minimumf>, %select_n3A_333, %reduce_min3A_365 [1] : vector<256x2816xf32> to vector<256xf32>
    %broadcast_in_dim3A_367 = vector.shape_cast %reduce_min3A_366 : vector<256xf32> to vector<256x1xf32>
    %lt3A_368 = arith.constant 0x7F800000 : f32
    %lt3A_369 = vector.broadcast %lt3A_368 : f32 to vector<256x1xf32>
    %lt3A_370 = arith.cmpf olt, %broadcast_in_dim3A_367, %lt3A_369 : vector<256x1xf32>
    %eq3A_371 = vector.broadcast %broadcast_in_dim3A_367 : vector<256x1xf32> to vector<256x2816xf32>
    %eq3A_372 = arith.cmpf oeq, %select_n3A_333, %eq3A_371 : vector<256x2816xf32>
    %jit3A_373 = arith.constant 1073741824 : i32
    %broadcast_in_dim3A_374 = vector.shape_cast %get3A_92 : vector<1x2816xi32> to vector<1x2816xi32>
    %broadcast_in_dim3A_375 = vector.broadcast %broadcast_in_dim3A_374 : vector<1x2816xi32> to vector<256x2816xi32>
    %broadcast_in_dim3A_376 = vector.broadcast %jit3A_373 : i32 to vector<256x2816xi32>
    %select_n3A_377 = arith.select %eq3A_372, %broadcast_in_dim3A_375, %broadcast_in_dim3A_376 : vector<256x2816xi1>, vector<256x2816xi32>
    %reduce_min3A_378 = arith.constant dense<2147483647> : vector<256xi32>
    %reduce_min3A_379 = vector.multi_reduction <minsi>, %select_n3A_377, %reduce_min3A_378 [1] : vector<256x2816xi32> to vector<256xi32>
    %broadcast_in_dim3A_380 = vector.shape_cast %reduce_min3A_379 : vector<256xi32> to vector<256x1xi32>
    %eq3A_381 = vector.broadcast %get3A_92 : vector<1x2816xi32> to vector<256x2816xi32>
    %eq3A_382 = vector.broadcast %broadcast_in_dim3A_380 : vector<256x1xi32> to vector<256x2816xi32>
    %eq3A_383 = arith.cmpi eq, %eq3A_381, %eq3A_382 : vector<256x2816xi32>
    %and3A_384 = arith.andi %eq3A_372, %eq3A_383 : vector<256x2816xi1>
    %jit3A_385 = arith.constant -1.000000e+00 : f32
    %broadcast_in_dim3A_386 = vector.broadcast %jit3A_385 : f32 to vector<256x2816xf32>
    %select_n3A_387 = arith.select %and3A_384, %sub3A_120, %broadcast_in_dim3A_386 : vector<256x2816xi1>, vector<256x2816xf32>
    %reduce_max3A_388 = arith.constant dense<0xFF800000> : vector<256xf32>
    %reduce_max3A_389 = vector.multi_reduction <maximumf>, %select_n3A_387, %reduce_max3A_388 [1] : vector<256x2816xf32> to vector<256xf32>
    %broadcast_in_dim3A_390 = vector.shape_cast %reduce_max3A_389 : vector<256xf32> to vector<256x1xf32>
    %jit3A_391 = arith.constant 0x7F800000 : f32
    %broadcast_in_dim3A_392 = vector.broadcast %jit3A_391 : f32 to vector<256x2816xf32>
    %select_n3A_393 = arith.select %and3A_384, %broadcast_in_dim3A_392, %select_n3A_333 : vector<256x2816xi1>, vector<256x2816xf32>
    %div3A_394 = arith.constant 3.906250e-03 : f32
    %div3A_395 = vector.broadcast %div3A_394 : f32 to vector<256x1xf32>
    %div3A_396 = arith.divf %broadcast_in_dim3A_390, %div3A_395 : vector<256x1xf32>
    %max3A_397 = arith.constant 0.000000e+00 : f32
    %max3A_398 = vector.broadcast %max3A_397 : f32 to vector<256x1xf32>
    %max3A_399 = arith.maximumf %div3A_396, %max3A_398 : vector<256x1xf32>
    %neg3A_400 = arith.constant 0.000000e+00 : f32
    %neg3A_401 = vector.broadcast %neg3A_400 : f32 to vector<256x1xf32>
    %neg3A_402 = arith.subf %neg3A_401, %max3A_399 : vector<256x1xf32>
    %exp3A_403 = math.exp %neg3A_402 : vector<256x1xf32>
    %jit3A_404 = arith.constant 0.000000e+00 : f32
    %jit3A_405 = arith.constant 9.900000e-01 : f32
    %max3A_406 = vector.broadcast %jit3A_404 : f32 to vector<256x1xf32>
    %max3A_407 = arith.maximumf %max3A_406, %exp3A_403 : vector<256x1xf32>
    %min3A_408 = vector.broadcast %jit3A_405 : f32 to vector<256x1xf32>
    %min3A_409 = arith.minimumf %min3A_408, %max3A_407 : vector<256x1xf32>
    %jit3A_410 = arith.constant -1 : i32
    %broadcast_in_dim3A_411 = vector.broadcast %jit3A_410 : i32 to vector<256x1xi32>
    %select_n3A_412 = arith.select %lt3A_370, %broadcast_in_dim3A_380, %broadcast_in_dim3A_411 : vector<256x1xi1>, vector<256x1xi32>
    %jit3A_413 = arith.constant -1 : i32
    %broadcast_in_dim3A_414 = vector.broadcast %jit3A_413 : i32 to vector<256x1xi32>
    %select_n3A_415 = arith.select %lt3A_370, %broadcast_in_dim3A_380, %broadcast_in_dim3A_414 : vector<256x1xi1>, vector<256x1xi32>
    %jit3A_416 = arith.constant -1.000000e+00 : f32
    %broadcast_in_dim3A_417 = vector.broadcast %jit3A_416 : f32 to vector<256x1xf32>
    %select_n3A_418 = arith.select %lt3A_370, %broadcast_in_dim3A_367, %broadcast_in_dim3A_417 : vector<256x1xi1>, vector<256x1xf32>
    %jit3A_419 = arith.constant -1.000000e+00 : f32
    %broadcast_in_dim3A_420 = vector.broadcast %jit3A_419 : f32 to vector<256x1xf32>
    %select_n3A_421 = arith.select %lt3A_370, %broadcast_in_dim3A_390, %broadcast_in_dim3A_420 : vector<256x1xi1>, vector<256x1xf32>
    %jit3A_422 = arith.constant 9.900000e-01 : f32
    %broadcast_in_dim3A_423 = vector.broadcast %jit3A_422 : f32 to vector<256x1xf32>
    %select_n3A_424 = arith.select %lt3A_370, %min3A_409, %broadcast_in_dim3A_423 : vector<256x1xi1>, vector<256x1xf32>
    %reduce_min3A_425 = arith.constant dense<0x7F800000> : vector<256xf32>
    %reduce_min3A_426 = vector.multi_reduction <minimumf>, %select_n3A_393, %reduce_min3A_425 [1] : vector<256x2816xf32> to vector<256xf32>
    %broadcast_in_dim3A_427 = vector.shape_cast %reduce_min3A_426 : vector<256xf32> to vector<256x1xf32>
    %lt3A_428 = arith.constant 0x7F800000 : f32
    %lt3A_429 = vector.broadcast %lt3A_428 : f32 to vector<256x1xf32>
    %lt3A_430 = arith.cmpf olt, %broadcast_in_dim3A_427, %lt3A_429 : vector<256x1xf32>
    %eq3A_431 = vector.broadcast %broadcast_in_dim3A_427 : vector<256x1xf32> to vector<256x2816xf32>
    %eq3A_432 = arith.cmpf oeq, %select_n3A_393, %eq3A_431 : vector<256x2816xf32>
    %jit3A_433 = arith.constant 1073741824 : i32
    %broadcast_in_dim3A_434 = vector.shape_cast %get3A_92 : vector<1x2816xi32> to vector<1x2816xi32>
    %broadcast_in_dim3A_435 = vector.broadcast %broadcast_in_dim3A_434 : vector<1x2816xi32> to vector<256x2816xi32>
    %broadcast_in_dim3A_436 = vector.broadcast %jit3A_433 : i32 to vector<256x2816xi32>
    %select_n3A_437 = arith.select %eq3A_432, %broadcast_in_dim3A_435, %broadcast_in_dim3A_436 : vector<256x2816xi1>, vector<256x2816xi32>
    %reduce_min3A_438 = arith.constant dense<2147483647> : vector<256xi32>
    %reduce_min3A_439 = vector.multi_reduction <minsi>, %select_n3A_437, %reduce_min3A_438 [1] : vector<256x2816xi32> to vector<256xi32>
    %broadcast_in_dim3A_440 = vector.shape_cast %reduce_min3A_439 : vector<256xi32> to vector<256x1xi32>
    %eq3A_441 = vector.broadcast %get3A_92 : vector<1x2816xi32> to vector<256x2816xi32>
    %eq3A_442 = vector.broadcast %broadcast_in_dim3A_440 : vector<256x1xi32> to vector<256x2816xi32>
    %eq3A_443 = arith.cmpi eq, %eq3A_441, %eq3A_442 : vector<256x2816xi32>
    %and3A_444 = arith.andi %eq3A_432, %eq3A_443 : vector<256x2816xi1>
    %jit3A_445 = arith.constant -1.000000e+00 : f32
    %broadcast_in_dim3A_446 = vector.broadcast %jit3A_445 : f32 to vector<256x2816xf32>
    %select_n3A_447 = arith.select %and3A_444, %sub3A_120, %broadcast_in_dim3A_446 : vector<256x2816xi1>, vector<256x2816xf32>
    %reduce_max3A_448 = arith.constant dense<0xFF800000> : vector<256xf32>
    %reduce_max3A_449 = vector.multi_reduction <maximumf>, %select_n3A_447, %reduce_max3A_448 [1] : vector<256x2816xf32> to vector<256xf32>
    %broadcast_in_dim3A_450 = vector.shape_cast %reduce_max3A_449 : vector<256xf32> to vector<256x1xf32>
    %jit3A_451 = arith.constant 0x7F800000 : f32
    %broadcast_in_dim3A_452 = vector.broadcast %jit3A_451 : f32 to vector<256x2816xf32>
    %select_n3A_453 = arith.select %and3A_444, %broadcast_in_dim3A_452, %select_n3A_393 : vector<256x2816xi1>, vector<256x2816xf32>
    %div3A_454 = arith.constant 3.906250e-03 : f32
    %div3A_455 = vector.broadcast %div3A_454 : f32 to vector<256x1xf32>
    %div3A_456 = arith.divf %broadcast_in_dim3A_450, %div3A_455 : vector<256x1xf32>
    %max3A_457 = arith.constant 0.000000e+00 : f32
    %max3A_458 = vector.broadcast %max3A_457 : f32 to vector<256x1xf32>
    %max3A_459 = arith.maximumf %div3A_456, %max3A_458 : vector<256x1xf32>
    %neg3A_460 = arith.constant 0.000000e+00 : f32
    %neg3A_461 = vector.broadcast %neg3A_460 : f32 to vector<256x1xf32>
    %neg3A_462 = arith.subf %neg3A_461, %max3A_459 : vector<256x1xf32>
    %exp3A_463 = math.exp %neg3A_462 : vector<256x1xf32>
    %jit3A_464 = arith.constant 0.000000e+00 : f32
    %jit3A_465 = arith.constant 9.900000e-01 : f32
    %max3A_466 = vector.broadcast %jit3A_464 : f32 to vector<256x1xf32>
    %max3A_467 = arith.maximumf %max3A_466, %exp3A_463 : vector<256x1xf32>
    %min3A_468 = vector.broadcast %jit3A_465 : f32 to vector<256x1xf32>
    %min3A_469 = arith.minimumf %min3A_468, %max3A_467 : vector<256x1xf32>
    %jit3A_470 = arith.constant -1 : i32
    %broadcast_in_dim3A_471 = vector.broadcast %jit3A_470 : i32 to vector<256x1xi32>
    %select_n3A_472 = arith.select %lt3A_430, %broadcast_in_dim3A_440, %broadcast_in_dim3A_471 : vector<256x1xi1>, vector<256x1xi32>
    %jit3A_473 = arith.constant -1 : i32
    %broadcast_in_dim3A_474 = vector.broadcast %jit3A_473 : i32 to vector<256x1xi32>
    %select_n3A_475 = arith.select %lt3A_430, %broadcast_in_dim3A_440, %broadcast_in_dim3A_474 : vector<256x1xi1>, vector<256x1xi32>
    %jit3A_476 = arith.constant -1.000000e+00 : f32
    %broadcast_in_dim3A_477 = vector.broadcast %jit3A_476 : f32 to vector<256x1xf32>
    %select_n3A_478 = arith.select %lt3A_430, %broadcast_in_dim3A_427, %broadcast_in_dim3A_477 : vector<256x1xi1>, vector<256x1xf32>
    %jit3A_479 = arith.constant -1.000000e+00 : f32
    %broadcast_in_dim3A_480 = vector.broadcast %jit3A_479 : f32 to vector<256x1xf32>
    %select_n3A_481 = arith.select %lt3A_430, %broadcast_in_dim3A_450, %broadcast_in_dim3A_480 : vector<256x1xi1>, vector<256x1xf32>
    %jit3A_482 = arith.constant 9.900000e-01 : f32
    %broadcast_in_dim3A_483 = vector.broadcast %jit3A_482 : f32 to vector<256x1xf32>
    %select_n3A_484 = arith.select %lt3A_430, %min3A_469, %broadcast_in_dim3A_483 : vector<256x1xi1>, vector<256x1xf32>
    %reduce_min3A_485 = arith.constant dense<0x7F800000> : vector<256xf32>
    %reduce_min3A_486 = vector.multi_reduction <minimumf>, %select_n3A_453, %reduce_min3A_485 [1] : vector<256x2816xf32> to vector<256xf32>
    %broadcast_in_dim3A_487 = vector.shape_cast %reduce_min3A_486 : vector<256xf32> to vector<256x1xf32>
    %lt3A_488 = arith.constant 0x7F800000 : f32
    %lt3A_489 = vector.broadcast %lt3A_488 : f32 to vector<256x1xf32>
    %lt3A_490 = arith.cmpf olt, %broadcast_in_dim3A_487, %lt3A_489 : vector<256x1xf32>
    %eq3A_491 = vector.broadcast %broadcast_in_dim3A_487 : vector<256x1xf32> to vector<256x2816xf32>
    %eq3A_492 = arith.cmpf oeq, %select_n3A_453, %eq3A_491 : vector<256x2816xf32>
    %jit3A_493 = arith.constant 1073741824 : i32
    %broadcast_in_dim3A_494 = vector.shape_cast %get3A_92 : vector<1x2816xi32> to vector<1x2816xi32>
    %broadcast_in_dim3A_495 = vector.broadcast %broadcast_in_dim3A_494 : vector<1x2816xi32> to vector<256x2816xi32>
    %broadcast_in_dim3A_496 = vector.broadcast %jit3A_493 : i32 to vector<256x2816xi32>
    %select_n3A_497 = arith.select %eq3A_492, %broadcast_in_dim3A_495, %broadcast_in_dim3A_496 : vector<256x2816xi1>, vector<256x2816xi32>
    %reduce_min3A_498 = arith.constant dense<2147483647> : vector<256xi32>
    %reduce_min3A_499 = vector.multi_reduction <minsi>, %select_n3A_497, %reduce_min3A_498 [1] : vector<256x2816xi32> to vector<256xi32>
    %broadcast_in_dim3A_500 = vector.shape_cast %reduce_min3A_499 : vector<256xi32> to vector<256x1xi32>
    %eq3A_501 = vector.broadcast %get3A_92 : vector<1x2816xi32> to vector<256x2816xi32>
    %eq3A_502 = vector.broadcast %broadcast_in_dim3A_500 : vector<256x1xi32> to vector<256x2816xi32>
    %eq3A_503 = arith.cmpi eq, %eq3A_501, %eq3A_502 : vector<256x2816xi32>
    %and3A_504 = arith.andi %eq3A_492, %eq3A_503 : vector<256x2816xi1>
    %jit3A_505 = arith.constant -1.000000e+00 : f32
    %broadcast_in_dim3A_506 = vector.broadcast %jit3A_505 : f32 to vector<256x2816xf32>
    %select_n3A_507 = arith.select %and3A_504, %sub3A_120, %broadcast_in_dim3A_506 : vector<256x2816xi1>, vector<256x2816xf32>
    %reduce_max3A_508 = arith.constant dense<0xFF800000> : vector<256xf32>
    %reduce_max3A_509 = vector.multi_reduction <maximumf>, %select_n3A_507, %reduce_max3A_508 [1] : vector<256x2816xf32> to vector<256xf32>
    %broadcast_in_dim3A_510 = vector.shape_cast %reduce_max3A_509 : vector<256xf32> to vector<256x1xf32>
    %jit3A_511 = arith.constant 0x7F800000 : f32
    %broadcast_in_dim3A_512 = vector.broadcast %jit3A_511 : f32 to vector<256x2816xf32>
    %select_n3A_513 = arith.select %and3A_504, %broadcast_in_dim3A_512, %select_n3A_453 : vector<256x2816xi1>, vector<256x2816xf32>
    %div3A_514 = arith.constant 3.906250e-03 : f32
    %div3A_515 = vector.broadcast %div3A_514 : f32 to vector<256x1xf32>
    %div3A_516 = arith.divf %broadcast_in_dim3A_510, %div3A_515 : vector<256x1xf32>
    %max3A_517 = arith.constant 0.000000e+00 : f32
    %max3A_518 = vector.broadcast %max3A_517 : f32 to vector<256x1xf32>
    %max3A_519 = arith.maximumf %div3A_516, %max3A_518 : vector<256x1xf32>
    %neg3A_520 = arith.constant 0.000000e+00 : f32
    %neg3A_521 = vector.broadcast %neg3A_520 : f32 to vector<256x1xf32>
    %neg3A_522 = arith.subf %neg3A_521, %max3A_519 : vector<256x1xf32>
    %exp3A_523 = math.exp %neg3A_522 : vector<256x1xf32>
    %jit3A_524 = arith.constant 0.000000e+00 : f32
    %jit3A_525 = arith.constant 9.900000e-01 : f32
    %max3A_526 = vector.broadcast %jit3A_524 : f32 to vector<256x1xf32>
    %max3A_527 = arith.maximumf %max3A_526, %exp3A_523 : vector<256x1xf32>
    %min3A_528 = vector.broadcast %jit3A_525 : f32 to vector<256x1xf32>
    %min3A_529 = arith.minimumf %min3A_528, %max3A_527 : vector<256x1xf32>
    %jit3A_530 = arith.constant -1 : i32
    %broadcast_in_dim3A_531 = vector.broadcast %jit3A_530 : i32 to vector<256x1xi32>
    %select_n3A_532 = arith.select %lt3A_490, %broadcast_in_dim3A_500, %broadcast_in_dim3A_531 : vector<256x1xi1>, vector<256x1xi32>
    %jit3A_533 = arith.constant -1 : i32
    %broadcast_in_dim3A_534 = vector.broadcast %jit3A_533 : i32 to vector<256x1xi32>
    %select_n3A_535 = arith.select %lt3A_490, %broadcast_in_dim3A_500, %broadcast_in_dim3A_534 : vector<256x1xi1>, vector<256x1xi32>
    %jit3A_536 = arith.constant -1.000000e+00 : f32
    %broadcast_in_dim3A_537 = vector.broadcast %jit3A_536 : f32 to vector<256x1xf32>
    %select_n3A_538 = arith.select %lt3A_490, %broadcast_in_dim3A_487, %broadcast_in_dim3A_537 : vector<256x1xi1>, vector<256x1xf32>
    %jit3A_539 = arith.constant -1.000000e+00 : f32
    %broadcast_in_dim3A_540 = vector.broadcast %jit3A_539 : f32 to vector<256x1xf32>
    %select_n3A_541 = arith.select %lt3A_490, %broadcast_in_dim3A_510, %broadcast_in_dim3A_540 : vector<256x1xi1>, vector<256x1xf32>
    %jit3A_542 = arith.constant 9.900000e-01 : f32
    %broadcast_in_dim3A_543 = vector.broadcast %jit3A_542 : f32 to vector<256x1xf32>
    %select_n3A_544 = arith.select %lt3A_490, %min3A_529, %broadcast_in_dim3A_543 : vector<256x1xi1>, vector<256x1xf32>
    %reduce_min3A_545 = arith.constant dense<0x7F800000> : vector<256xf32>
    %reduce_min3A_546 = vector.multi_reduction <minimumf>, %select_n3A_513, %reduce_min3A_545 [1] : vector<256x2816xf32> to vector<256xf32>
    %broadcast_in_dim3A_547 = vector.shape_cast %reduce_min3A_546 : vector<256xf32> to vector<256x1xf32>
    %lt3A_548 = arith.constant 0x7F800000 : f32
    %lt3A_549 = vector.broadcast %lt3A_548 : f32 to vector<256x1xf32>
    %lt3A_550 = arith.cmpf olt, %broadcast_in_dim3A_547, %lt3A_549 : vector<256x1xf32>
    %eq3A_551 = vector.broadcast %broadcast_in_dim3A_547 : vector<256x1xf32> to vector<256x2816xf32>
    %eq3A_552 = arith.cmpf oeq, %select_n3A_513, %eq3A_551 : vector<256x2816xf32>
    %jit3A_553 = arith.constant 1073741824 : i32
    %broadcast_in_dim3A_554 = vector.shape_cast %get3A_92 : vector<1x2816xi32> to vector<1x2816xi32>
    %broadcast_in_dim3A_555 = vector.broadcast %broadcast_in_dim3A_554 : vector<1x2816xi32> to vector<256x2816xi32>
    %broadcast_in_dim3A_556 = vector.broadcast %jit3A_553 : i32 to vector<256x2816xi32>
    %select_n3A_557 = arith.select %eq3A_552, %broadcast_in_dim3A_555, %broadcast_in_dim3A_556 : vector<256x2816xi1>, vector<256x2816xi32>
    %reduce_min3A_558 = arith.constant dense<2147483647> : vector<256xi32>
    %reduce_min3A_559 = vector.multi_reduction <minsi>, %select_n3A_557, %reduce_min3A_558 [1] : vector<256x2816xi32> to vector<256xi32>
    %broadcast_in_dim3A_560 = vector.shape_cast %reduce_min3A_559 : vector<256xi32> to vector<256x1xi32>
    %eq3A_561 = vector.broadcast %get3A_92 : vector<1x2816xi32> to vector<256x2816xi32>
    %eq3A_562 = vector.broadcast %broadcast_in_dim3A_560 : vector<256x1xi32> to vector<256x2816xi32>
    %eq3A_563 = arith.cmpi eq, %eq3A_561, %eq3A_562 : vector<256x2816xi32>
    %and3A_564 = arith.andi %eq3A_552, %eq3A_563 : vector<256x2816xi1>
    %jit3A_565 = arith.constant -1.000000e+00 : f32
    %broadcast_in_dim3A_566 = vector.broadcast %jit3A_565 : f32 to vector<256x2816xf32>
    %select_n3A_567 = arith.select %and3A_564, %sub3A_120, %broadcast_in_dim3A_566 : vector<256x2816xi1>, vector<256x2816xf32>
    %reduce_max3A_568 = arith.constant dense<0xFF800000> : vector<256xf32>
    %reduce_max3A_569 = vector.multi_reduction <maximumf>, %select_n3A_567, %reduce_max3A_568 [1] : vector<256x2816xf32> to vector<256xf32>
    %broadcast_in_dim3A_570 = vector.shape_cast %reduce_max3A_569 : vector<256xf32> to vector<256x1xf32>
    %div3A_571 = arith.constant 3.906250e-03 : f32
    %div3A_572 = vector.broadcast %div3A_571 : f32 to vector<256x1xf32>
    %div3A_573 = arith.divf %broadcast_in_dim3A_570, %div3A_572 : vector<256x1xf32>
    %max3A_574 = arith.constant 0.000000e+00 : f32
    %max3A_575 = vector.broadcast %max3A_574 : f32 to vector<256x1xf32>
    %max3A_576 = arith.maximumf %div3A_573, %max3A_575 : vector<256x1xf32>
    %neg3A_577 = arith.constant 0.000000e+00 : f32
    %neg3A_578 = vector.broadcast %neg3A_577 : f32 to vector<256x1xf32>
    %neg3A_579 = arith.subf %neg3A_578, %max3A_576 : vector<256x1xf32>
    %exp3A_580 = math.exp %neg3A_579 : vector<256x1xf32>
    %jit3A_581 = arith.constant 0.000000e+00 : f32
    %jit3A_582 = arith.constant 9.900000e-01 : f32
    %max3A_583 = vector.broadcast %jit3A_581 : f32 to vector<256x1xf32>
    %max3A_584 = arith.maximumf %max3A_583, %exp3A_580 : vector<256x1xf32>
    %min3A_585 = vector.broadcast %jit3A_582 : f32 to vector<256x1xf32>
    %min3A_586 = arith.minimumf %min3A_585, %max3A_584 : vector<256x1xf32>
    %jit3A_587 = arith.constant -1 : i32
    %broadcast_in_dim3A_588 = vector.broadcast %jit3A_587 : i32 to vector<256x1xi32>
    %select_n3A_589 = arith.select %lt3A_550, %broadcast_in_dim3A_560, %broadcast_in_dim3A_588 : vector<256x1xi1>, vector<256x1xi32>
    %jit3A_590 = arith.constant -1 : i32
    %broadcast_in_dim3A_591 = vector.broadcast %jit3A_590 : i32 to vector<256x1xi32>
    %select_n3A_592 = arith.select %lt3A_550, %broadcast_in_dim3A_560, %broadcast_in_dim3A_591 : vector<256x1xi1>, vector<256x1xi32>
    %jit3A_593 = arith.constant -1.000000e+00 : f32
    %broadcast_in_dim3A_594 = vector.broadcast %jit3A_593 : f32 to vector<256x1xf32>
    %select_n3A_595 = arith.select %lt3A_550, %broadcast_in_dim3A_547, %broadcast_in_dim3A_594 : vector<256x1xi1>, vector<256x1xf32>
    %jit3A_596 = arith.constant -1.000000e+00 : f32
    %broadcast_in_dim3A_597 = vector.broadcast %jit3A_596 : f32 to vector<256x1xf32>
    %select_n3A_598 = arith.select %lt3A_550, %broadcast_in_dim3A_570, %broadcast_in_dim3A_597 : vector<256x1xi1>, vector<256x1xf32>
    %jit3A_599 = arith.constant 9.900000e-01 : f32
    %broadcast_in_dim3A_600 = vector.broadcast %jit3A_599 : f32 to vector<256x1xf32>
    %select_n3A_601 = arith.select %lt3A_550, %min3A_586, %broadcast_in_dim3A_600 : vector<256x1xi1>, vector<256x1xf32>
    %concatenate3A = tpu.concatenate %select_n3A_178, %select_n3A_238, %select_n3A_298, %select_n3A_358, %select_n3A_418, %select_n3A_478, %select_n3A_538, %select_n3A_595 in 1 : vector<256x1xf32>, vector<256x1xf32>, vector<256x1xf32>, vector<256x1xf32>, vector<256x1xf32>, vector<256x1xf32>, vector<256x1xf32>, vector<256x1xf32> -> vector<256x8xf32>
    %concatenate3A_602 = tpu.concatenate %select_n3A_181, %select_n3A_241, %select_n3A_301, %select_n3A_361, %select_n3A_421, %select_n3A_481, %select_n3A_541, %select_n3A_598 in 1 : vector<256x1xf32>, vector<256x1xf32>, vector<256x1xf32>, vector<256x1xf32>, vector<256x1xf32>, vector<256x1xf32>, vector<256x1xf32>, vector<256x1xf32> -> vector<256x8xf32>
    %concatenate3A_603 = tpu.concatenate %select_n3A_175, %select_n3A_235, %select_n3A_295, %select_n3A_355, %select_n3A_415, %select_n3A_475, %select_n3A_535, %select_n3A_592 in 1 : vector<256x1xi32>, vector<256x1xi32>, vector<256x1xi32>, vector<256x1xi32>, vector<256x1xi32>, vector<256x1xi32>, vector<256x1xi32>, vector<256x1xi32> -> vector<256x8xi32>
    %concatenate3A_604 = tpu.concatenate %select_n3A_184, %select_n3A_244, %select_n3A_304, %select_n3A_364, %select_n3A_424, %select_n3A_484, %select_n3A_544, %select_n3A_601 in 1 : vector<256x1xf32>, vector<256x1xf32>, vector<256x1xf32>, vector<256x1xf32>, vector<256x1xf32>, vector<256x1xf32>, vector<256x1xf32>, vector<256x1xf32> -> vector<256x8xf32>
    %iota3A_605 = tpu.iota {dimensions = array<i32: 1>} : vector<256x8192xi32>
    %mul3A_606 = arith.constant 8192 : i32
    %mul3A_607 = arith.muli %arg0, %mul3A_606 : i32
    %add3A_608 = vector.broadcast %mul3A_607 : i32 to vector<256x8192xi32>
    %add3A_609 = arith.addi %iota3A_605, %add3A_608 : vector<256x8192xi32>
    %broadcast_in_dim3A_610 = arith.constant 0.000000e+00 : f32
    %broadcast_in_dim3A_611 = vector.broadcast %broadcast_in_dim3A_610 : f32 to vector<256x8192xf32>
    %eq3A_612 = vector.broadcast %select_n3A_172 : vector<256x1xi32> to vector<256x8192xi32>
    %eq3A_613 = arith.cmpi eq, %add3A_609, %eq3A_612 : vector<256x8192xi32>
    %broadcast_in_dim3A_614 = vector.shape_cast %min3A_169 : vector<256x1xf32> to vector<256x1xf32>
    %broadcast_in_dim3A_615 = vector.broadcast %broadcast_in_dim3A_614 : vector<256x1xf32> to vector<256x8192xf32>
    %select_n3A_616 = arith.select %eq3A_613, %broadcast_in_dim3A_615, %broadcast_in_dim3A_611 : vector<256x8192xi1>, vector<256x8192xf32>
    %eq3A_617 = vector.broadcast %select_n3A_232 : vector<256x1xi32> to vector<256x8192xi32>
    %eq3A_618 = arith.cmpi eq, %add3A_609, %eq3A_617 : vector<256x8192xi32>
    %broadcast_in_dim3A_619 = vector.shape_cast %min3A_229 : vector<256x1xf32> to vector<256x1xf32>
    %broadcast_in_dim3A_620 = vector.broadcast %broadcast_in_dim3A_619 : vector<256x1xf32> to vector<256x8192xf32>
    %select_n3A_621 = arith.select %eq3A_618, %broadcast_in_dim3A_620, %select_n3A_616 : vector<256x8192xi1>, vector<256x8192xf32>
    %eq3A_622 = vector.broadcast %select_n3A_292 : vector<256x1xi32> to vector<256x8192xi32>
    %eq3A_623 = arith.cmpi eq, %add3A_609, %eq3A_622 : vector<256x8192xi32>
    %broadcast_in_dim3A_624 = vector.shape_cast %min3A_289 : vector<256x1xf32> to vector<256x1xf32>
    %broadcast_in_dim3A_625 = vector.broadcast %broadcast_in_dim3A_624 : vector<256x1xf32> to vector<256x8192xf32>
    %select_n3A_626 = arith.select %eq3A_623, %broadcast_in_dim3A_625, %select_n3A_621 : vector<256x8192xi1>, vector<256x8192xf32>
    %eq3A_627 = vector.broadcast %select_n3A_352 : vector<256x1xi32> to vector<256x8192xi32>
    %eq3A_628 = arith.cmpi eq, %add3A_609, %eq3A_627 : vector<256x8192xi32>
    %broadcast_in_dim3A_629 = vector.shape_cast %min3A_349 : vector<256x1xf32> to vector<256x1xf32>
    %broadcast_in_dim3A_630 = vector.broadcast %broadcast_in_dim3A_629 : vector<256x1xf32> to vector<256x8192xf32>
    %select_n3A_631 = arith.select %eq3A_628, %broadcast_in_dim3A_630, %select_n3A_626 : vector<256x8192xi1>, vector<256x8192xf32>
    %eq3A_632 = vector.broadcast %select_n3A_412 : vector<256x1xi32> to vector<256x8192xi32>
    %eq3A_633 = arith.cmpi eq, %add3A_609, %eq3A_632 : vector<256x8192xi32>
    %broadcast_in_dim3A_634 = vector.shape_cast %min3A_409 : vector<256x1xf32> to vector<256x1xf32>
    %broadcast_in_dim3A_635 = vector.broadcast %broadcast_in_dim3A_634 : vector<256x1xf32> to vector<256x8192xf32>
    %select_n3A_636 = arith.select %eq3A_633, %broadcast_in_dim3A_635, %select_n3A_631 : vector<256x8192xi1>, vector<256x8192xf32>
    %eq3A_637 = vector.broadcast %select_n3A_472 : vector<256x1xi32> to vector<256x8192xi32>
    %eq3A_638 = arith.cmpi eq, %add3A_609, %eq3A_637 : vector<256x8192xi32>
    %broadcast_in_dim3A_639 = vector.shape_cast %min3A_469 : vector<256x1xf32> to vector<256x1xf32>
    %broadcast_in_dim3A_640 = vector.broadcast %broadcast_in_dim3A_639 : vector<256x1xf32> to vector<256x8192xf32>
    %select_n3A_641 = arith.select %eq3A_638, %broadcast_in_dim3A_640, %select_n3A_636 : vector<256x8192xi1>, vector<256x8192xf32>
    %eq3A_642 = vector.broadcast %select_n3A_532 : vector<256x1xi32> to vector<256x8192xi32>
    %eq3A_643 = arith.cmpi eq, %add3A_609, %eq3A_642 : vector<256x8192xi32>
    %broadcast_in_dim3A_644 = vector.shape_cast %min3A_529 : vector<256x1xf32> to vector<256x1xf32>
    %broadcast_in_dim3A_645 = vector.broadcast %broadcast_in_dim3A_644 : vector<256x1xf32> to vector<256x8192xf32>
    %select_n3A_646 = arith.select %eq3A_643, %broadcast_in_dim3A_645, %select_n3A_641 : vector<256x8192xi1>, vector<256x8192xf32>
    %eq3A_647 = vector.broadcast %select_n3A_589 : vector<256x1xi32> to vector<256x8192xi32>
    %eq3A_648 = arith.cmpi eq, %add3A_609, %eq3A_647 : vector<256x8192xi32>
    %broadcast_in_dim3A_649 = vector.shape_cast %min3A_586 : vector<256x1xf32> to vector<256x1xf32>
    %broadcast_in_dim3A_650 = vector.broadcast %broadcast_in_dim3A_649 : vector<256x1xf32> to vector<256x8192xf32>
    %select_n3A_651 = arith.select %eq3A_648, %broadcast_in_dim3A_650, %select_n3A_646 : vector<256x8192xi1>, vector<256x8192xf32>
    %get3A_652 = arith.constant 0 : index
    %get3A_653 = arith.constant 0 : index
    %get3A_654 = arith.constant 0 : index
    %get3A_655 = vector.load %arg6[%get3A_652, %get3A_653, %get3A_654] : memref<1x8192x64xf32, #tpu.memory_space<vmem>>, vector<1x8192x64xf32>
    %get3A_656 = vector.shape_cast %get3A_655 : vector<1x8192x64xf32> to vector<8192x64xf32>
    %dot_general3A = arith.constant dense<0.000000e+00> : vector<64x256xf32>
    %dot_general3A_657 = tpu.matmul %get3A_656, %select_n3A_651, %dot_general3A {dimension_numbers = #tpu.dot_dimension_numbers<[0], [1], [1], [0], [0, 1, 1, 0], [], []>, transpose_lhs_hint = false} : vector<8192x64xf32>, vector<256x8192xf32>, vector<64x256xf32> -> vector<64x256xf32>
    %swap3A = arith.constant 0 : index
    %swap3A_658 = arith.constant 0 : index
    %swap3A_659 = arith.constant 0 : index
    %swap3A_660 = vector.load %arg7[%swap3A, %swap3A_658, %swap3A_659] : memref<1x64x256xf32, #tpu.memory_space<vmem>>, vector<1x64x256xf32>
    %swap3A_661 = vector.shape_cast %swap3A_660 : vector<1x64x256xf32> to vector<64x256xf32>
    %swap3A_662 = vector.shape_cast %dot_general3A_657 : vector<64x256xf32> to vector<1x64x256xf32>
    tpu.vector_store %arg7[%swap3A, %swap3A_658, %swap3A_659], %swap3A_662 {strides = array<i32>} : memref<1x64x256xf32, #tpu.memory_space<vmem>>, vector<1x64x256xf32>,
    %ge3A = arith.constant 0 : i32
    %ge3A_663 = vector.broadcast %ge3A : i32 to vector<256x8xi32>
    %ge3A_664 = arith.cmpi sge, %concatenate3A_603, %ge3A_663 : vector<256x8xi32>
    %jit3A_665 = arith.constant 0.000000e+00 : f32
    %broadcast_in_dim3A_666 = vector.broadcast %jit3A_665 : f32 to vector<256x8xf32>
    %select_n3A_667 = arith.select %ge3A_664, %concatenate3A_604, %broadcast_in_dim3A_666 : vector<256x8xi1>, vector<256x8xf32>
    %reduce_sum3A = arith.constant dense<0.000000e+00> : vector<256xf32>
    %reduce_sum3A_668 = vector.multi_reduction <add>, %select_n3A_667, %reduce_sum3A [1] : vector<256x8xf32> to vector<256xf32>
    %broadcast_in_dim3A_669 = vector.shape_cast %reduce_sum3A_668 : vector<256xf32> to vector<256x1xf32>
    %max3A_670 = arith.constant 9.99999971E-10 : f32
    %max3A_671 = vector.broadcast %max3A_670 : f32 to vector<256x1xf32>
    %max3A_672 = arith.maximumf %broadcast_in_dim3A_669, %max3A_671 : vector<256x1xf32>
    %div3A_673 = vector.broadcast %max3A_672 : vector<256x1xf32> to vector<256x8xf32>
    %div3A_674 = arith.divf %select_n3A_667, %div3A_673 : vector<256x8xf32>
    %mul3A_675 = arith.mulf %concatenate3A, %div3A_674 : vector<256x8xf32>
    %reduce_sum3A_676 = arith.constant dense<0.000000e+00> : vector<256xf32>
    %reduce_sum3A_677 = vector.multi_reduction <add>, %mul3A_675, %reduce_sum3A_676 [1] : vector<256x8xf32> to vector<256xf32>
    %broadcast_in_dim3A_678 = vector.shape_cast %reduce_sum3A_677 : vector<256xf32> to vector<256x1xf32>
    %reshape3A = vector.shape_cast %broadcast_in_dim3A_678 : vector<256x1xf32> to vector<1x256xf32>
    %swap3A_679 = arith.constant 0 : index
    %swap3A_680 = arith.constant 0 : index
    %swap3A_681 = arith.constant 0 : index
    %swap3A_682 = vector.load %arg8[%swap3A_679, %swap3A_680, %swap3A_681] : memref<1x1x256xf32, #tpu.memory_space<vmem>>, vector<1x1x256xf32>
    %swap3A_683 = vector.shape_cast %swap3A_682 : vector<1x1x256xf32> to vector<1x256xf32>
    %swap3A_684 = vector.shape_cast %reshape3A : vector<1x256xf32> to vector<1x1x256xf32>
    tpu.vector_store %arg8[%swap3A_679, %swap3A_680, %swap3A_681], %swap3A_684 {strides = array<i32>} : memref<1x1x256xf32, #tpu.memory_space<vmem>>, vector<1x1x256xf32>,
    %convert_element_type3A_685 = arith.extui %lt3A_135 : vector<256x1xi1> to vector<256x1xi32>
    %convert_element_type3A_686 = arith.sitofp %convert_element_type3A_685 : vector<256x1xi32> to vector<256x1xf32>
    %reshape3A_687 = vector.shape_cast %convert_element_type3A_686 : vector<256x1xf32> to vector<1x256xf32>
    %swap3A_688 = arith.constant 0 : index
    %swap3A_689 = arith.constant 0 : index
    %swap3A_690 = arith.constant 0 : index
    %swap3A_691 = vector.load %arg9[%swap3A_688, %swap3A_689, %swap3A_690] : memref<1x1x256xf32, #tpu.memory_space<vmem>>, vector<1x1x256xf32>
    %swap3A_692 = vector.shape_cast %swap3A_691 : vector<1x1x256xf32> to vector<1x256xf32>
    %swap3A_693 = vector.shape_cast %reshape3A_687 : vector<1x256xf32> to vector<1x1x256xf32>
    tpu.vector_store %arg9[%swap3A_688, %swap3A_689, %swap3A_690], %swap3A_693 {strides = array<i32>} : memref<1x1x256xf32, #tpu.memory_space<vmem>>, vector<1x1x256xf32>,
    %transpose3A = tpu.transpose %concatenate3A_603, [1, 0] : vector<256x8xi32> -> vector<8x256xi32>
    %swap3A_694 = arith.constant 0 : index
    %swap3A_695 = arith.constant 0 : index
    %swap3A_696 = arith.constant 0 : index
    %swap3A_697 = vector.load %arg10[%swap3A_694, %swap3A_695, %swap3A_696] : memref<1x8x256xi32, #tpu.memory_space<vmem>>, vector<1x8x256xi32>
    %swap3A_698 = vector.shape_cast %swap3A_697 : vector<1x8x256xi32> to vector<8x256xi32>
    %swap3A_699 = vector.shape_cast %transpose3A : vector<8x256xi32> to vector<1x8x256xi32>
    tpu.vector_store %arg10[%swap3A_694, %swap3A_695, %swap3A_696], %swap3A_699 {strides = array<i32>} : memref<1x8x256xi32, #tpu.memory_space<vmem>>, vector<1x8x256xi32>,
    %swap3A_700 = arith.constant 0 : index
    %swap3A_701 = arith.constant 0 : index
    %swap3A_702 = arith.constant 0 : index
    %swap3A_703 = vector.load %arg11[%swap3A_700, %swap3A_701, %swap3A_702] : memref<1x256x8xf32, #tpu.memory_space<vmem>>, vector<1x256x8xf32>
    %swap3A_704 = vector.shape_cast %swap3A_703 : vector<1x256x8xf32> to vector<256x8xf32>
    %swap3A_705 = vector.shape_cast %concatenate3A : vector<256x8xf32> to vector<1x256x8xf32>
    tpu.vector_store %arg11[%swap3A_700, %swap3A_701, %swap3A_702], %swap3A_705 {strides = array<i32>} : memref<1x256x8xf32, #tpu.memory_space<vmem>>, vector<1x256x8xf32>,
    %swap3A_706 = arith.constant 0 : index
    %swap3A_707 = arith.constant 0 : index
    %swap3A_708 = arith.constant 0 : index
    %swap3A_709 = vector.load %arg12[%swap3A_706, %swap3A_707, %swap3A_708] : memref<1x256x8xf32, #tpu.memory_space<vmem>>, vector<1x256x8xf32>
    %swap3A_710 = vector.shape_cast %swap3A_709 : vector<1x256x8xf32> to vector<256x8xf32>
    %swap3A_711 = vector.shape_cast %concatenate3A_602 : vector<256x8xf32> to vector<1x256x8xf32>
    tpu.vector_store %arg12[%swap3A_706, %swap3A_707, %swap3A_708], %swap3A_711 {strides = array<i32>} : memref<1x256x8xf32, #tpu.memory_space<vmem>>, vector<1x256x8xf32>,
    %transpose3A_712 = tpu.transpose %concatenate3A_604, [1, 0] : vector<256x8xf32> -> vector<8x256xf32>
    %swap3A_713 = arith.constant 0 : index
    %swap3A_714 = arith.constant 0 : index
    %swap3A_715 = arith.constant 0 : index
    %swap3A_716 = vector.load %arg13[%swap3A_713, %swap3A_714, %swap3A_715] : memref<1x8x256xf32, #tpu.memory_space<vmem>>, vector<1x8x256xf32>
    %swap3A_717 = vector.shape_cast %swap3A_716 : vector<1x8x256xf32> to vector<8x256xf32>
    %swap3A_718 = vector.shape_cast %transpose3A_712 : vector<8x256xf32> to vector<1x8x256xf32>
    tpu.vector_store %arg13[%swap3A_713, %swap3A_714, %swap3A_715], %swap3A_718 {strides = array<i32>} : memref<1x8x256xf32, #tpu.memory_space<vmem>>, vector<1x8x256xf32>,
    return
  }
  func.func @transform_0(%arg0: i32, %arg1: i32) -> (i32, i32, i32, i32) {
    %c0_i32 = arith.constant 0 : i32
    %c0_i32_0 = arith.constant 0 : i32
    %c0_i32_1 = arith.constant 0 : i32
    return %arg0, %arg1, %c0_i32, %c0_i32_0 : i32, i32, i32, i32
  }
  func.func @transform_1(%arg0: i32, %arg1: i32) -> (i32, i32, i32, i32) {
    %c0_i32 = arith.constant 0 : i32
    %c0_i32_0 = arith.constant 0 : i32
    %c0_i32_1 = arith.constant 0 : i32
    return %arg0, %arg1, %c0_i32, %c0_i32_0 : i32, i32, i32, i32
  }
  func.func @transform_2(%arg0: i32, %arg1: i32) -> (i32, i32, i32, i32) {
    %c0_i32 = arith.constant 0 : i32
    %c0_i32_0 = arith.constant 0 : i32
    %c0_i32_1 = arith.constant 0 : i32
    return %arg0, %arg1, %c0_i32, %c0_i32_0 : i32, i32, i32, i32
  }
  func.func @transform_3(%arg0: i32, %arg1: i32) -> (i32, i32, i32, i32) {
    %c0_i32 = arith.constant 0 : i32
    %c0_i32_0 = arith.constant 0 : i32
    %c0_i32_1 = arith.constant 0 : i32
    return %arg0, %arg1, %c0_i32, %c0_i32_0 : i32, i32, i32, i32
  }
  func.func @transform_4(%arg0: i32, %arg1: i32) -> (i32, i32, i32) {
    %c0_i32 = arith.constant 0 : i32
    %c0_i32_0 = arith.constant 0 : i32
    %c0_i32_1 = arith.constant 0 : i32
    return %arg0, %c0_i32, %c0_i32_0 : i32, i32, i32
  }
  func.func @transform_5(%arg0: i32, %arg1: i32) -> (i32, i32, i32) {
    %c0_i32 = arith.constant 0 : i32
    %c0_i32_0 = arith.constant 0 : i32
    return %arg0, %c0_i32, %arg1 : i32, i32, i32
  }
  func.func @transform_6(%arg0: i32, %arg1: i32) -> (i32, i32, i32) {
    %c0_i32 = arith.constant 0 : i32
    %c0_i32_0 = arith.constant 0 : i32
    return %arg0, %c0_i32, %arg1 : i32, i32, i32
  }
  func.func @transform_7(%arg0: i32, %arg1: i32) -> (i32, i32, i32) {
    %c0_i32 = arith.constant 0 : i32
    %c0_i32_0 = arith.constant 0 : i32
    return %arg0, %c0_i32, %arg1 : i32, i32, i32
  }
  func.func @transform_8(%arg0: i32, %arg1: i32) -> (i32, i32, i32) {
    %c0_i32 = arith.constant 0 : i32
    %c0_i32_0 = arith.constant 0 : i32
    return %arg0, %c0_i32, %arg1 : i32, i32, i32
  }
  func.func @transform_9(%arg0: i32, %arg1: i32) -> (i32, i32, i32) {
    %c0_i32 = arith.constant 0 : i32
    %c0_i32_0 = arith.constant 0 : i32
    return %arg0, %arg1, %c0_i32 : i32, i32, i32
  }
  func.func @transform_10(%arg0: i32, %arg1: i32) -> (i32, i32, i32) {
    %c0_i32 = arith.constant 0 : i32
    %c0_i32_0 = arith.constant 0 : i32
    return %arg0, %arg1, %c0_i32 : i32, i32, i32
  }
  func.func @transform_11(%arg0: i32, %arg1: i32) -> (i32, i32, i32) {
    %c0_i32 = arith.constant 0 : i32
    %c0_i32_0 = arith.constant 0 : i32
    return %arg0, %c0_i32, %arg1 : i32, i32, i32
  }
}

</mosaic_0001>

<sc_bundles>
// kernel: kernel.4.cloned.1.call-start
scs
__scs_entry_jumppad:
0x0: {  	(pc) =	sbr.rel $0x88, $3  }
0x1: {  	(tag) =	ssettag $0x0;
	lr =	simm.s32 $0x1  }
0x2: {  	[smem:$0x3F9F] =	sst lr;
	_ =	strace $0xD0000000  }
0x3: {  	_ = 	snop  }
0x4: {  	_ = 	snop  }
0x5: {  	_ = 	snop  }
0x6: {  	_ = 	snop  }
0x7: {  	_ = 	snop  }
__scs_overlays_trampoline_lowered:
0x8: {  	[smem:$0x3FAE] =	sst s0  }
0x9: {  	[smem:$0x3FAF] =	sst s1  }
0xa: {  	[smem:$0x3FB0] =	sst s2  }
0xb: {  	[smem:$0x3FB1] =	sst s3  }
0xc: {  	[smem:$0x3FB2] =	sst s4  }
0xd: {  	[smem:$0x3FB3] =	sst s5  }
0xe: {  	[smem:$0x3FB4] =	sst s6  }
0xf: {  	[smem:$0x3FB5] =	sst s7  }
0x10: {  	[smem:$0x3FB6] =	sst s8  }
0x11: {  	[smem:$0x3FB7] =	sst s9;
	s0 =	simm.s32 @!p0 $0x0  }
0x12: {  	s1 =	sld [smem:$0x3F9D];
	s0 =	simm.s32 @p0 $0x1  }
0x13: {  	[smem:$0x3FB8] =	sst s0;
	s0 =	simm.s32 @!p1 $0x0  }
0x14: {  	s2 =	sld [smem:$0x3F9C];
	s0 =	simm.s32 @p1 $0x1  }
0x15: {  	[smem:$0x3FB9] =	sst s0;
	s0 =	simm.s32 @!p2 $0x0  }
0x16: {  	s3 =	sld [smem:$0x3FDB];
	s0 =	simm.s32 @p2 $0x1  }
0x17: {  	s4 =	simm.s32 $0x1BF5;
	[smem:$0x3FBB] =	sst s0  }
0x18: {  	s0 =	sld [smem:$0x3F9E];
	_ =	swait.ge [sflag:s4], $0x0  }
0x19: {  	s7 =	sld [smem:$0x3F9F]  }
0x1a: {  	s8 =	sadd.s32 $0xFFFFE003, lr  }
0x1b: {  	s9 =	sadd.s32 $0xFFFFFEF7, lr;
	s5 =	simm.s32 $0xFFFFFFFF;
	p2 =	slt.u32 s8, $0xFFFFF086  }
0x1c: {  	p1 =	slt.u32 s9, $0xF7A;
	s5 =	simm.s32 @!p2 $0x0  }
0x1d: {  	s5 =	simm.s32 @p1 $0x1;
	p0 =	seq.s32 s7, s2  }
0x1e: {  	s7 =	smul.u32 @!p0 $0xF7A, s2;
	p2 =	seq.s32 @!p0 s5, $0x0  }
0x1f: {  	s9 =	smul.u32 $0xF7A, s1;
	s8 =	simm.s32 @!p0 $0x1BF5;
	p2 =	por !p2, p0  }
0x20: {  	[sflag:s8] =	ssyncset.s32 @!p0 $0xFFFFF086;
	s6 =	sadd.s32 @!p0 s3, s7;
	s7 =	simm.s32 @!p0 $0x108  }
0x21: {  	s3 =	sadd.s32 s3, s9;
	s6 =	sadd.s32 @!p0 $0x88, s6;
	s7 =	simm.s32 @p2 $0x1082  }
0x22: {  	[simem:s7], [sflag:s8] =	dma.local @!p0 [hbm:s6], $0xF7A  }
0x23: {  	s9 =	sor.u32 $0xD0000000, s2;
	s6 =	simm.s32 $0x108;
	_ =	swait.ge @!p0 [sflag:s8], $0x0  }
0x24: {  	s3 =	sadd.s32 $0x88, s3;
	s6 =	simm.s32 @!p1 $0x1082;
	[sflag:s4] =	ssyncset.s32 $0xFFFFF086  }
0x25: {  	[simem:s6], [sflag:s4] =	dma.local [hbm:s3], $0xF7A  }
0x26: {  	[smem:$0x3F9F] =	sst s1;
	(tag) =	ssettag s2;
	_ =	strace s9  }
0x27: {  	s1 =	sld [smem:$0x3FAF]  }
0x28: {  	s2 =	sld [smem:$0x3FB0]  }
0x29: {  	s4 =	sld [smem:$0x3FB2]  }
0x2a: {  	p0 =	seq.s32 s5, $0x0;
	s5 =	sld [smem:$0x3FB3]  }
0x2b: {  	s6 =	sld [smem:$0x3FB4]  }
0x2c: {  	s7 =	sld [smem:$0x3FB5]  }
0x2d: {  	s3 =	simm.s32 $0x108;
	s8 =	sld [smem:$0x3FB6]  }
0x2e: {  	s3 =	simm.s32 @!p0 $0x1082;
	s9 =	sld [smem:$0x3FB7]  }
0x2f: {  	lr =	sadd.s32 s0, s3;
	s0 =	sld [smem:$0x3FAE]  }
0x30: {  	s3 =	sld [smem:$0x3FB1]  }
0x31: {  	[smem:$0x3FBA] =	sst s10  }
0x32: {  	s10 =	sld [smem:$0x3FB8];
	_ =	sdelay $0x3  }
0x33: {  	p0 =	seq.s32 s10, $0x1;
	s10 =	sld [smem:$0x3FBA];
	_ =	sdelay $0x3  }
0x34: {  	[smem:$0x3FBA] =	sst s10  }
0x35: {  	s10 =	sld [smem:$0x3FB9];
	_ =	sdelay $0x3  }
0x36: {  	p1 =	seq.s32 s10, $0x1;
	s10 =	sld [smem:$0x3FBA];
	_ =	sdelay $0x3  }
0x37: {  	[smem:$0x3FBA] =	sst s10  }
0x38: {  	s10 =	sld [smem:$0x3FBB]  }
0x39: {  	_ = 	snop;
	(pc) =	sbr.ind lr, $3  }
0x3a: {  	_ = 	snop  }
0x3b: {  	_ = 	snop  }
0x3c: {  	p2 =	seq.s32 s10, $0x1;
	s10 =	sld [smem:$0x3FBA]  }
0x3d: {  	_ =	shalt  }
0x3e: {  	_ =	shalt  }
0x3f: {  	_ =	shalt  }
0x40: {  	_ =	shalt  }
0x41: {  	_ =	shalt  }
0x42: {  	_ =	shalt  }
0x43: {  	_ =	shalt  }
0x44: {  	_ =	shalt  }
0x45: {  	_ =	shalt  }
0x46: {  	_ =	shalt  }
0x47: {  	_ =	shalt  }
0x48: {  	_ =	shalt  }
0x49: {  	_ =	shalt  }
0x4a: {  	_ =	shalt  }
0x4b: {  	_ =	shalt  }
0x4c: {  	_ =	shalt  }
0x4d: {  	_ =	shalt  }
0x4e: {  	_ =	shalt  }
0x4f: {  	_ =	shalt  }
0x50: {  	_ =	shalt  }
0x51: {  	_ =	shalt  }
0x52: {  	_ =	shalt  }
0x53: {  	_ =	shalt  }
0x54: {  	_ =	shalt  }
0x55: {  	_ =	shalt  }
0x56: {  	_ =	shalt  }
0x57: {  	_ =	shalt  }
0x58: {  	_ =	shalt  }
0x59: {  	_ =	shalt  }
0x5a: {  	_ =	shalt  }
0x5b: {  	_ =	shalt  }
0x5c: {  	_ =	shalt  }
0x5d: {  	_ =	shalt  }
0x5e: {  	_ =	shalt  }
0x5f: {  	_ =	shalt  }
0x60: {  	_ =	shalt  }
0x61: {  	_ =	shalt  }
0x62: {  	_ =	shalt  }
0x63: {  	_ =	shalt  }
0x64: {  	_ =	shalt  }
0x65: {  	_ =	shalt  }
0x66: {  	_ =	shalt  }
0x67: {  	_ =	shalt  }
0x68: {  	_ =	shalt  }
0x69: {  	_ =	shalt  }
0x6a: {  	_ =	shalt  }
0x6b: {  	_ =	shalt  }
0x6c: {  	_ =	shalt  }
0x6d: {  	_ =	shalt  }
0x6e: {  	_ =	shalt  }
0x6f: {  	_ =	shalt  }
0x70: {  	_ =	shalt  }
0x71: {  	_ =	shalt  }
0x72: {  	_ =	shalt  }
0x73: {  	_ =	shalt  }
0x74: {  	_ =	shalt  }
0x75: {  	_ =	shalt  }
0x76: {  	_ =	shalt  }
0x77: {  	_ =	shalt  }
0x78: {  	_ =	shalt  }
0x79: {  	_ =	shalt  }
0x7a: {  	_ =	shalt  }
0x7b: {  	_ =	shalt  }
0x7c: {  	_ =	shalt  }
0x7d: {  	_ =	shalt  }
0x7e: {  	_ =	shalt  }
0x7f: {  	_ =	shalt  }
0x80: {  	_ =	shalt  }
0x81: {  	_ =	shalt  }
0x82: {  	_ =	shalt  }
0x83: {  	_ =	shalt  }
0x84: {  	_ =	shalt  }
0x85: {  	_ =	shalt  }
0x86: {  	_ =	shalt  }
0x87: {  	_ =	shalt  }
.Lfunc_end0:
.L_simem_size_0:
called_computation_lowered:
.L_overlay_start_0:
0x88: {  	s2 =	sld [smem:$0x3FD9]  }
0x89: {  	s3 =	sld [smem:$0x3FFE];
	_ =	sdelay $0x1  }
0x8a: {  	s1 =	srdreg.scid  }
0x8b: {  	s0 =	sand.u32 $0x1, s1  }
0x8c: {  	s15 =	sshll.u32 s0, $0xA;
	s2 =	sadd.s32 s3, s2  }
0x8d: {  	s2 =	sadd.s32 s2, s15  }
0x8e: {  	[smem:$0x3FC6] =	sst s2  }
0x8f: {  	_ = 	snop  }
0x90: {  	s2 =	sld [smem:$0x3FD0];
	_ =	sdelay $0x2  }
0x91: {  	s16 =	simm.s32 $0xA;
	s4 =	simm.s32 $0x10  }
0x92: {  	[smem:s4], [sflag:s16] =	dma.local [hbm:s2], $0x1  }
0x93: {  	_ =	swait.eq [sflag:s16], $0x1  }
0x94: {  	s5 =	sld [smem:$0x10]  }
0x95: {  	s6 =	sld [smem:$0x11]  }
0x96: {  	s7 =	sld [smem:$0x12]  }
0x97: {  	s8 =	sld [smem:$0x15];
	[sflag:s16] =	ssyncset.done $0x0  }
0x98: {  	s9 =	sld [smem:$0x16];
	[sflag:s16] =	ssyncadd.s32 $0xFFFFFFFF  }
0x99: {  	s2 =	sadd.s32 $0x1, s2;
	s10 =	sld [smem:$0x17]  }
0x9a: {  	[smem:s4], [sflag:s16] =	dma.local [hbm:s2], $0x1  }
0x9b: {  	_ =	swait.eq [sflag:s16], $0x1  }
0x9c: {  	[sflag:s16] =	ssyncset.done $0x0  }
0x9d: {  	[sflag:s16] =	ssyncadd.s32 $0xFFFFFFFF  }
0x9e: {  	s17 =	sld [smem:$0x10];
	(tm) =	ssettm $0x1  }
0x9f: {  	s18 =	sld [smem:$0x3FFB];
	_ =	sdelay $0x3  }
0xa0: {  	_ =	strace s18  }
0xa1: {  	s3 =	sld [smem:$0x3FFC];
	_ =	sdelay $0x3  }
0xa2: {  	_ =	strace s3  }
0xa3: {  	s3 =	sld [smem:$0x3FFD];
	_ =	sdelay $0x3  }
0xa4: {  	_ =	strace s3  }
0xa5: {  	_ =	strace $0x8FFFFFFF  }
0xa6: {  	s19 =	sld [smem:$0x3FDB];
	_ =	sdelay $0x1  }
0xa7: {  	s20 =	simm.s32 $_scs_section_size  }
0xa8: {  	s11 =	simm.s32 $_size__tile_overlayer_lowered;
	s12 =	simm.s32 $_tile_overlayer_lowered  }
0xa9: {  	s23 =	simm.s32 $0x1BFF;
	s22 =	sshll.u32 s12, $0x1;
	s3 =	sadd.s32 s20, s19  }
0xaa: {  	s13 =	simm.s32 $0x0;
	s21 =	sshll.u32 s11, $0x1;
	s11 =	sadd.s32 s22, s3  }
0xab: {  	[timem:s13], [sflag:s23] =	dma.local [hbm:s11], s21  }
0xac: {  	_ =	swait.ge [sflag:s23], s21  }
0xad: {  	s4 =	ssub.s32 $0x0, s21;
	[sflag:s23] =	ssyncset.done $0x0  }
0xae: {  	[sflag:s23] =	ssyncadd.s32 s4;
	_ =	sdelay $0x1  }
0xaf: {  	s24 =	simm.s32 $0x1B8B  }
0xb0: {  	_ =	swait.ge [sflag:s24], $0x1  }
0xb1: {  	[sflag:s24] =	ssyncset.done $0x0  }
0xb2: {  	s25 =	simm.s32 $0x1B8E;
	[sflag:s24] =	ssyncadd.s32 $0xFFFFFFFF  }
0xb3: {  	s26 =	simm.s32 $execute0_lowered;
	[smem:$0x3FD2] =	sst s25  }
0xb4: {  	s4 =	sshll.u32 s26, $0x1;
	_ =	strace $0x80000046;
	[dreg:$0x1] =	wrdreg $0xFFFFFFFF  }
0xb5: {  	s28 =	simm.s32 $_size_execute0_lowered;
	s3 =	sadd.s32 s3, s4;
	[dreg:$0x0] =	wrdreg $0x0  }
0xb6: {  	s4 =	sshll.u32 s28, $0x1;
	[dreg:$0x2] =	wrdreg s3  }
0xb7: {  	[dreg:$0x3] =	wrdreg s4  }
0xb8: {  	[dreg:$0x4] =	wrdreg $0xC0  }
0xb9: {  	_ =	task [dreg:s13], $0x5FFFF  }
0xba: {  	[dreg:$0x1] =	wrdreg $0xFFFFFFFF  }
0xbb: {  	[dreg:$0x0] =	wrdreg $0x60  }
0xbc: {  	[dreg:$0x2] =	wrdreg s7  }
0xbd: {  	[dreg:$0x3] =	wrdreg s5  }
0xbe: {  	[dreg:$0x4] =	wrdreg s6  }
0xbf: {  	[dreg:$0x5] =	wrdreg s17  }
0xc0: {  	[dreg:$0x6] =	wrdreg s10  }
0xc1: {  	[dreg:$0x7] =	wrdreg s9  }
0xc2: {  	[dreg:$0x8] =	wrdreg s8  }
0xc3: {  	[dreg:$0x9] =	wrdreg $0x9  }
0xc4: {  	_ =	task.clear_ibuf [dreg:s13], $0xAFFFF;
	_ =	strace $0x90000046  }
0xc5: {  	s29 =	simm.s32 $0x9;
	_ =	strace $0x80000048  }
0xc6: {  	_ =	swait.ge [sflag:s29], $0x1  }
0xc7: {  	[sflag:s29] =	ssyncadd.s32 $0xFFFFFFFF  }
0xc8: {  	_ =	strace $0x90000048  }
0xc9: {  	_ =	sfence  }
0xca: {  	s30 =	sld [smem:$0x0];
	_ =	sdelay $0x2  }
0xcb: {  	s31 =	sshll.u32 s1, $0xD;
	s1 =	sshrl.u32 s1, $0x2  }
0xcc: {  	s3 =	sand.u32 $0x4000, s31;
	s1 =	sadd.s32 s1, s30  }
0xcd: {  	s0 =	sor.u32 s3, s0;
	s1 =	sshll.u32 s1, $0x11  }
0xce: {  	s0 =	sor.u32 s1, s0  }
0xcf: {  	s0 =	sadd.s32 $0x8F2B, s0  }
0xd0: {  	[sflag:s0] =	ssyncadd.remote.s32 $0x1  }
0xd1: {  	_ =	sfence.sel $0xFFFF  }
0xd2: {  	[dreg:$0x0] =	wrdreg $0xFFFFFFFF;
	(pc) =	sbr.abs _section_cstart, $3  }
0xd3: {  	[dreg:$0x1] =	wrdreg $0xFFFFFFFF  }
0xd4: {  	_ =	task.clear_ibuf [dreg:s13], $0x2FFFF;
	_ =	strace $0x9FFFFFFF  }
0xd5: {  	(tm) =	ssettm $0x7FFFFFFF  }
tec
execute0_lowered:
.L_overlay_start_1:
0x0: {  	(tag) =	ssettag $0x1  }
0x1: {  	s4 =	rddreg [dreg:$0x0]  }
0x2: {  	s5 =	rddreg [dreg:$0x1]  }
0x3: {  	s6 =	rddreg [dreg:$0x2]  }
0x4: {  	s7 =	rddreg [dreg:$0x3]  }
0x5: {  	s8 =	rddreg [dreg:$0x4]  }
0x6: {  	s9 =	rddreg [dreg:$0x5]  }
0x7: {  	s0 =	stileid.u32;
	s10 =	rddreg [dreg:$0x6]  }
0x8: {  	s3 =	srdreg.scid;
	s17 =	simm.s32 $0x7600;
	s18 =	simm.s32 $0x8100  }
0x9: {  	s19 =	simm.s32 $0x0;
	s1 =	sshll.u32 s0, $0x3;
	s28 =	sshllo.u32 s0, $0x3  }
0xa: {  	s12 =	sand.u32 $0x1, s3;
	s16 =	smul.u32 $0xB00, s0;
	s1 =	sor.u32 $0x1, s1  }
0xb: {  	s11 =	scvt.s32.f32 s28;
	s3 =	ssub.s32 $0x2, s12;
	s15 =	smul.u32 $0xB000, s12  }
0xc: {  	s2 =	scvt.s32.f32 s1;
	s1 =	rddreg [dreg:$0x7];
	s14 =	sshrl.u32 s3, $0x1  }
0xd: {  	s11 =	smul.f32 $1.562500000e-02, s11;
	s14 =	ssub.s32 s3, s14;
	s3 =	sshll.u32 s12, $0xD  }
0xe: {  	s12 =	sshll.u32 s12, $0xA;
	s13 =	smul.f32 $1.562500000e-02, s2;
	s2 =	simm.s32 $0x0  }
0xf: {  	s15 =	sadd.s32 s16, s15;
	s16 =	simm.s32 $0x6B00;
	[smem:$0x7FF] =	sst s2  }
0x10: {  	s4 =	sadd.s32 s4, s12;
	s5 =	sadd.s32 s5, s12;
	s11 =	ssub.f32 $1.000000000e+00, s11  }
0x11: {  	v0 =	vlaneseq.u32;
	s30 =	sshrl.u32 s15, $0x3;
	s6 =	sadd.s32 s6, s12;
	s13 =	ssub.f32 $1.000000000e+00, s13  }
0x12: {  	v2 =	vmul.u32 $0xB0, v0;
	s12 =	simm.s32 $0x1;
	s15 =	simm.s32 $0x6000;
	s31 =	sadd.f32 $-1.562500000e-01, s11  }
0x13: {  	v5 =	vimm.f32 $0.0e+00;
	s7 =	sadd.s32 s7, s30;
	s8 =	sadd.s32 s8, s30;
	s29 =	sadd.f32 $1.562500000e-01, s13  }
0x14: {  	v6 =	vimm.f32 $-1.000000000e+00;
	v8 =	vimm.s32 $0x0;
	v7 =	vadd.s32 $0xA8, v2;
	s9 =	sadd.s32 s9, s30;
	s10 =	sadd.s32 s10, s30;
	_ =	strace $0x80000047  }
0x15: {  	v1 =	vmov s3;
	s11 =	smax.u32 s14, $0x1;
	s14 =	simm.s32 $0x4000;
	s13 =	simm.s32 $0x2000;
	v3 =	vmov s31;
	v4 =	vmov s29  }
.LBB2_1:
0x16: {  	[tilespmem:s2], [sflag:$0x1] =	stream.linear.gather [hbm4b:s4+s2], $0x2000, $0x38;
	[tilespmem:$0x8C00] =	vst v63  }
0x17: {  	_ =	swait.ge [sflag:s12], $0x2000  }
0x18: {  	[sflag:s12] =	ssyncset.done $0x0  }
0x19: {  	[sflag:s12] =	ssyncadd.s32 $0xFFFFE000  }
0x1a: {  	[tilespmem:s13], [sflag:$0x1] =	stream.linear.gather [hbm4b:s5+s2], $0x2000, $0x38;
	[tilespmem:$0x8C00] =	vst v63  }
0x1b: {  	_ =	swait.ge [sflag:s12], $0x2000  }
0x1c: {  	[sflag:s12] =	ssyncset.done $0x0  }
0x1d: {  	[sflag:s12] =	ssyncadd.s32 $0xFFFFE000  }
0x1e: {  	[tilespmem:s14], [sflag:$0x1] =	stream.linear.gather [hbm4b:s6+s2], $0x2000, $0x38;
	[tilespmem:$0x8C00] =	vst v63  }
0x1f: {  	_ =	swait.ge [sflag:s12], $0x2000  }
0x20: {  	[sflag:s12] =	ssyncset.done $0x0  }
0x21: {  	s20 =	simm.s32 $0x0;
	[sflag:s12] =	ssyncadd.s32 $0xFFFFE000  }
.LBB2_2:
0x22: {  	p0 =	sne.s32 s20, $0x2BC0  }
.Ltmp0:
0x23: {  	s21 =	sshra.s32 s20, $0x2;
	(pc) =	sbr.rel @p0 .LBB2_2-.Ltmp0, $4  }
0x24: {  	[tilespmem:s21+$0x6000] =	vst v5  }
0x25: {  	[tilespmem:s21+$0x6B00] =	vst v5  }
0x26: {  	[tilespmem:s21+$0x7600] =	vst v6  }
0x27: {  	s20 =	sadd.s32 $0x40, s20;
	[tilespmem:s21+$0x8100] =	vst v1  }
0x28: {  	s20 =	simm.s32 $0x2000  }
0x29: {  	v9 =	vld [tilespmem:s20+$0x0];
	_ =	sdelay $0x2  }
0x2a: {  	v11 =	vimm.s32 $0x0  }
0x2b: {  	vm0 =	vlt.s32 v11, $0xA7  }
0x2c: {  	v10 =	vnsel vm0, $0xA7, v11;
	vm1 =	vge.f32 v9, v3;
	vm2 =	vle.f32 v9, v4  }
0x2d: {  	s21 =	simm.s32 $0x0;
	v10 =	vadd.s32 v2, v10;
	vm15 =	vmand vm1, vm2  }
0x2e: {  	v12 =	vld [tilespmem:s21+$0x0];
	v10 =	vsel vm15, v10, v7;
	_ =	sdelay $0x4  }
0x2f: {  	[tilespmem:v10+s15+$0x0] =	vst.idx.msk $0xffff, v12  }
0x30: {  	s20 =	simm.s32 $0x4000;
	[tilespmem:v10+s16+$0x0] =	vst.idx.msk $0xffff, v9  }
0x31: {  	v9 =	vld [tilespmem:s20+$0x0];
	_ =	sdelay $0x3  }
0x32: {  	s21 =	sor.u32 s3, s21  }
0x33: {  	[tilespmem:v10+s17+$0x0] =	vst.idx.msk $0xffff, v9;
	v9 =	vor.u32 s21, v0  }
0x34: {  	s22 =	simm.s32 $0x2010;
	[tilespmem:v10+s18+$0x0] =	vst.idx.msk $0xffff, v9  }
0x35: {  	v10 =	vld [tilespmem:s22+$0x0]  }
0x36: {  	s21 =	simm.s32 $0x10;
	v9 =	vsel vm15, $0x1, v8  }
0x37: {  	s23 =	simm.s32 $0x20;
	s24 =	simm.s32 $0x10;
	v9 =	vadd.s32 v9, v11;
	v11 =	vld [tilespmem:s21+$0x0]  }
.LBB2_4:
0x38: {  	p0 =	sne.s32 s23, $0x1FF0  }
0x39: {  	vm0 =	vlt.s32 v9, $0xA7  }
0x3a: {  	v12 =	vnsel vm0, $0xA7, v9;
	vm1 =	vge.f32 v10, v3;
	vm2 =	vle.f32 v10, v4  }
0x3b: {  	v12 =	vadd.s32 v2, v12;
	vm0 =	vmand vm1, vm2  }
0x3c: {  	v12 =	vsel vm0, v12, v7;
	v13 =	vsel vm0, $0x1, v8  }
0x3d: {  	v9 =	vadd.s32 v13, v9;
	_ =	sdelay $0x3  }
0x3e: {  	[tilespmem:v12+s15+$0x0] =	vst.idx.msk $0xffff, v11  }
0x3f: {  	s20 =	sadd.s32 $0x10, s20;
	[tilespmem:v12+s16+$0x0] =	vst.idx.msk $0xffff, v10  }
0x40: {  	v10 =	vld [tilespmem:s20+$0x0];
	_ =	sdelay $0x3  }
0x41: {  	s25 =	sor.u32 s3, s21;
	s21 =	smov.u32 s23  }
.Ltmp1:
0x42: {  	[tilespmem:v12+s17+$0x0] =	vst.idx.msk $0xffff, v10;
	v10 =	vor.u32 s25, v0;
	(pc) =	sbr.rel @p0 .LBB2_4-.Ltmp1, $4  }
0x43: {  	s22 =	sadd.s32 $0x10, s22;
	[tilespmem:v12+s18+$0x0] =	vst.idx.msk $0xffff, v10  }
0x44: {  	s24 =	sadd.s32 $0x10, s24;
	v10 =	vld [tilespmem:s22+$0x0]  }
0x45: {  	v11 =	vld [tilespmem:s24+$0x0]  }
0x46: {  	s23 =	sadd.s32 $0x10, s23  }
0x47: {  	_ = 	snop  }
0x48: {  	vm0 =	vlt.s32 v9, $0xA7  }
0x49: {  	v9 =	vnsel vm0, $0xA7, v9;
	vm1 =	vge.f32 v10, v3;
	vm2 =	vle.f32 v10, v4  }
0x4a: {  	v9 =	vadd.s32 v2, v9;
	vm15 =	vmand vm1, vm2  }
0x4b: {  	v9 =	vsel vm15, v9, v7;
	_ =	sdelay $0x4  }
0x4c: {  	[tilespmem:v9+s15+$0x0] =	vst.idx.msk $0xffff, v11  }
0x4d: {  	s20 =	sadd.s32 $0x10, s20;
	[tilespmem:v9+s16+$0x0] =	vst.idx.msk $0xffff, v10  }
0x4e: {  	v10 =	vld [tilespmem:s20+$0x0];
	_ =	sdelay $0x3  }
0x4f: {  	s31 =	sor.u32 s3, s21  }
0x50: {  	[tilespmem:v9+s17+$0x0] =	vst.idx.msk $0xffff, v10;
	v10 =	vor.u32 s31, v0  }
0x51: {  	[tilespmem:v9+s18+$0x0] =	vst.idx.msk $0xffff, v10  }
0x52: {  	[hbm4b:s7+s2] =	stream.linear.scatter [tilespmem:s15], [sflag:$0x1], $0xB00, $0x38;
	[tilespmem:$0x8C00] =	vst v63  }
0x53: {  	_ =	swait.ge [sflag:s12], $0xB00  }
0x54: {  	[sflag:s12] =	ssyncset.done $0x0  }
0x55: {  	[sflag:s12] =	ssyncadd.s32 $0xFFFFF500  }
0x56: {  	[hbm4b:s8+s2] =	stream.linear.scatter [tilespmem:s16], [sflag:$0x1], $0xB00, $0x38;
	[tilespmem:$0x8C00] =	vst v63  }
0x57: {  	_ =	swait.ge [sflag:s12], $0xB00  }
0x58: {  	[sflag:s12] =	ssyncset.done $0x0  }
0x59: {  	[sflag:s12] =	ssyncadd.s32 $0xFFFFF500  }
0x5a: {  	[hbm4b:s9+s2] =	stream.linear.scatter [tilespmem:s17], [sflag:$0x1], $0xB00, $0x38;
	[tilespmem:$0x8C00] =	vst v63  }
0x5b: {  	s19 =	sadd.s32 $0x1, s19;
	_ =	swait.ge [sflag:s12], $0xB00  }
0x5c: {  	p0 =	sne.s32 s19, s11;
	[sflag:s12] =	ssyncset.done $0x0  }
.Ltmp2:
0x5d: {  	[sflag:s12] =	ssyncadd.s32 $0xFFFFF500;
	(pc) =	sbr.rel @p0 .LBB2_1-.Ltmp2, $4  }
0x5e: {  	[hbm4b:s10+s2] =	stream.linear.scatter [tilespmem:s18], [sflag:$0x1], $0xB00, $0x38;
	[tilespmem:$0x8C00] =	vst v63  }
0x5f: {  	_ =	swait.ge [sflag:s12], $0xB00  }
0x60: {  	[sflag:s12] =	ssyncset.done $0x0  }
0x61: {  	[sflag:s12] =	ssyncadd.s32 $0xFFFFF500  }
0x62: {  	_ =	sfence.sel $0x180000  }
0x63: {  	[bflag:$0x0] =	sbarrier.arrive $0xFFFF  }
0x64: {  	p0 =	sne.s32 s0, $0x0;
	_ =	strace $0x90000047  }
0x65: {  	s0 =	sadd.s32 @!p0 $0x100000, s1;
	[bflag:$0x2] =	sbarrier.arrive $0xFFFF  }
0x66: {  	[sflag:s0] =	ssyncadd.tile.s32 @!p0 $0x1;
	_ =	shalt  }
.Lfunc_end2:
_tile_overlayer_lowered:
.L_overlay_start_2:
0x67: {  	(tag) =	ssettag $0x2  }
0x68: {  	s0 =	rddreg [dreg:$0x0];
	s2 =	stileid.u32  }
0x69: {  	s1 =	rddreg [dreg:$0x1];
	p0 =	sne.s32 s2, $0x0  }
0x6a: {  	s3 =	rddreg [dreg:$0x2];
	[bflag:$0x3] =	sbarrier.arrive $0xFFFF;
	s2 =	simm.s32 @!p0 $0x1C01  }
0x6b: {  	[timem:s3], [sflag:s2] =	dma.local @!p0 [hbm:s0], s1  }
0x6c: {  	s0 =	simm.s32 @!p0 $0x1  }
0x6d: {  	_ =	swait.ge @!p0 [sflag:s0], s1  }
0x6e: {  	s1 =	ssub.s32 @!p0 $0x0, s1;
	[sflag:s0] =	ssyncset.done @!p0 $0x0  }
0x6f: {  	[sflag:s0] =	ssyncadd.s32 @!p0 s1  }
0x70: {  	[bflag:$0x3] =	sbarrier.arrive $0xFFFF  }
0x71: {  	_ =	shalt  }

</sc_bundles>
